<compile_context>
chip_gen: v7x
topology: tpu7x:2x2x1
jax: 0.10.2.dev20260603
libtpu: 0.0.44.dev20260713+nightly
codegen_flags: <defaults>
</compile_context>

<pallas_src>
import jax
import jax.numpy as jnp
from jax import lax
from jax.experimental import pallas as pl
from jax.experimental.pallas import tpu as pltpu
from jax.experimental.pallas import tpu_sc as plsc

EPS = 1e-10
N_NODES = 10000
N_EDGES = 320000
Q = 128

NC = 2
NS = 16
NW = NC * NS
EPT = N_EDGES // NW
CH = 80
NCHUNK = EPT // CH
NPAD = 10240
NPT = NPAD // NS
ZH = 128
NZH = NPT // ZH
L = 16


def _mmlog_body(cav_ref, c_ref, out_ref):
    acc = jnp.dot(cav_ref[...], c_ref[...], preferred_element_type=jnp.float32)
    out_ref[...] = jnp.log(acc + EPS)


def _mmlog(cav_ij, C):
    bm = 1280
    return pl.pallas_call(
        _mmlog_body,
        grid=(N_EDGES // bm,),
        in_specs=[
            pl.BlockSpec((bm, Q), lambda i: (i, 0)),
            pl.BlockSpec((Q, Q), lambda i: (0, 0)),
        ],
        out_specs=pl.BlockSpec((bm, Q), lambda i: (i, 0)),
        out_shape=jax.ShapeDtypeStruct((N_EDGES, Q), jnp.float32),
    )(cav_ij, C)


def _scatter_body(temp2_hbm, dst_hbm, out0_hbm, out1_hbm,
                  acc_shared, rows0_v, rows1_v, idx0_v, idx1_v, stage_v,
                  sl0, sl1):
    c = lax.axis_index("c")
    s = lax.axis_index("s")
    wid = c * NS + s
    rows = (rows0_v, rows1_v)
    idx = (idx0_v, idx1_v)
    sl = (sl0, sl1)

    zf = jnp.zeros((L,), jnp.float32)

    def _zb(r, _):
        for k in range(Q // L):
            stage_v[r, pl.ds(k * L, L)] = zf
        return 0
    lax.fori_loop(0, ZH, _zb, 0)
    for h in range(NZH):
        pltpu.sync_copy(stage_v, acc_shared.at[pl.ds(s * NPT + h * ZH, ZH)])
    plsc.subcore_barrier()

    def _load_start(i, p):
        base = wid * EPT + i * CH
        pltpu.async_copy(dst_hbm.at[pl.ds(base, CH)], idx[p], sl[p])
        pltpu.async_copy(temp2_hbm.at[pl.ds(base, CH)], rows[p], sl[p])

    def _load_wait(p):
        pltpu.make_async_copy(dst_hbm.at[pl.ds(0, CH)], idx[p], sl[p]).wait()
        pltpu.make_async_copy(temp2_hbm.at[pl.ds(0, CH)], rows[p], sl[p]).wait()

    _load_start(0, 0)

    def _pair(j, _):
        i0 = 2 * j
        for p in (0, 1):
            i = i0 + p
            _load_start(i + 1, 1 - p)
            _load_wait(p)
            pltpu.sync_copy(rows[p], acc_shared.at[idx[p]], add=True)
        return 0
    lax.fori_loop(0, (NCHUNK - 1) // 2, _pair, 0)
    _load_wait(0)
    pltpu.sync_copy(rows[0], acc_shared.at[idx[0]], add=True)
    plsc.subcore_barrier()

    for h in range(NZH):
        base = s * NPT + h * ZH
        pltpu.sync_copy(acc_shared.at[pl.ds(base, ZH)], stage_v)

        @pl.when(c == 0)
        def _():
            pltpu.sync_copy(stage_v, out0_hbm.at[pl.ds(base, ZH)])

        @pl.when(c == 1)
        def _():
            pltpu.sync_copy(stage_v, out1_hbm.at[pl.ds(base, ZH)])


def _segment_sum_sc(temp2, dst_idx):
    f = pl.kernel(
        _scatter_body,
        out_type=(jax.ShapeDtypeStruct((NPAD, Q), jnp.float32),
                  jax.ShapeDtypeStruct((NPAD, Q), jnp.float32)),
        mesh=plsc.VectorSubcoreMesh(core_axis_name="c", subcore_axis_name="s"),
        scratch_types=[
            pltpu.VMEM_SHARED((NPAD, Q), jnp.float32),
            pltpu.VMEM((CH, Q), jnp.float32),
            pltpu.VMEM((CH, Q), jnp.float32),
            pltpu.VMEM((CH,), jnp.int32),
            pltpu.VMEM((CH,), jnp.int32),
            pltpu.VMEM((ZH, Q), jnp.float32),
            pltpu.SemaphoreType.DMA,
            pltpu.SemaphoreType.DMA,
        ],
    )
    return f(temp2, dst_idx)


def _combine_body(f_ref, p0_ref, p1_ref, out_ref):
    out_ref[...] = f_ref[...] + p0_ref[...] + p1_ref[...]


def _combine(field_i, p0, p1):
    bn = 1000
    spec = pl.BlockSpec((bn, Q), lambda i: (i, 0))
    return pl.pallas_call(
        _combine_body,
        grid=(N_NODES // bn,),
        in_specs=[spec, spec, spec],
        out_specs=spec,
        out_shape=jax.ShapeDtypeStruct((N_NODES, Q), jnp.float32),
    )(field_i, p0, p1)


def _gather_body(marg_hbm, temp2_hbm, src_hbm, ind_hbm, out_hbm,
                 a0_v, a1_v, b0_v, b1_v, o0_v, o1_v,
                 isrc0_v, isrc1_v, iind0_v, iind1_v,
                 sg0, sg1, si0, si1, so0, so1):
    c = lax.axis_index("c")
    s = lax.axis_index("s")
    wid = c * NS + s
    ebase = wid * EPT
    a = (a0_v, a1_v)
    b = (b0_v, b1_v)
    o = (o0_v, o1_v)
    isrc = (isrc0_v, isrc1_v)
    iind = (iind0_v, iind1_v)
    sg = (sg0, sg1)
    si = (si0, si1)
    so = (so0, so1)

    def _idx_start(i, p):
        base = ebase + i * CH
        pltpu.async_copy(src_hbm.at[pl.ds(base, CH)], isrc[p], si[p])
        pltpu.async_copy(ind_hbm.at[pl.ds(base, CH)], iind[p], si[p])

    def _idx_wait(p):
        pltpu.make_async_copy(src_hbm.at[pl.ds(0, CH)], isrc[p], si[p]).wait()
        pltpu.make_async_copy(ind_hbm.at[pl.ds(0, CH)], iind[p], si[p]).wait()

    def _gather_start(p):
        pltpu.async_copy(marg_hbm.at[isrc[p]], a[p], sg[p])
        pltpu.async_copy(temp2_hbm.at[iind[p]], b[p], sg[p])

    def _gather_wait(p):
        pltpu.make_async_copy(marg_hbm.at[pl.ds(0, CH)], a[p], sg[p]).wait()
        pltpu.make_async_copy(temp2_hbm.at[pl.ds(0, CH)], b[p], sg[p]).wait()

    def _compute(p):
        def _row(r, _):
            for k in range(Q // L):
                sl = pl.ds(k * L, L)
                o[p][r, sl] = a[p][r, sl] - b[p][r, sl]
            return 0
        lax.fori_loop(0, CH, _row, 0)

    def _out_start(i, p):
        pltpu.async_copy(o[p], out_hbm.at[pl.ds(ebase + i * CH, CH)], so[p])

    def _out_wait(p):
        pltpu.make_async_copy(o[p], out_hbm.at[pl.ds(0, CH)], so[p]).wait()

    _idx_start(0, 0)
    _idx_wait(0)
    _gather_start(0)
    _idx_start(1, 1)

    def _pair(j, _):
        i0 = 2 * j
        for p in (0, 1):
            i = i0 + p
            _idx_wait(1 - p)
            _gather_start(1 - p)
            _gather_wait(p)

            @pl.when(i + 2 < NCHUNK)
            def _():
                _idx_start(i + 2, p)

            @pl.when(j > 0)
            def _():
                _out_wait(p)
            _compute(p)
            _out_start(i, p)
        return 0
    lax.fori_loop(0, (NCHUNK - 1) // 2, _pair, 0)
    _gather_wait(0)
    _out_wait(0)
    _compute(0)
    _out_start(NCHUNK - 1, 0)
    _out_wait(1)
    _out_wait(0)


def _gather_sub_sc(marg, temp2, src_idx, ind_idx):
    f = pl.kernel(
        _gather_body,
        out_type=jax.ShapeDtypeStruct((N_EDGES, Q), jnp.float32),
        mesh=plsc.VectorSubcoreMesh(core_axis_name="c", subcore_axis_name="s"),
        scratch_types=(
            [pltpu.VMEM((CH, Q), jnp.float32)] * 6
            + [pltpu.VMEM((CH,), jnp.int32)] * 4
            + [pltpu.SemaphoreType.DMA] * 6
        ),
    )
    return f(marg, temp2, src_idx, ind_idx)


def _softmax_body(x_ref, out_ref):
    x = x_ref[...]
    m = jnp.max(x, axis=1, keepdims=True)
    e = jnp.exp(x - m)
    r = 1.0 / jnp.sum(e, axis=1, keepdims=True)
    out_ref[...] = e * r


def _softmax(logits):
    bm = 1280
    spec = pl.BlockSpec((bm, Q), lambda i: (i, 0))
    return pl.pallas_call(
        _softmax_body,
        grid=(N_EDGES // bm,),
        in_specs=[spec],
        out_specs=spec,
        out_shape=jax.ShapeDtypeStruct((N_EDGES, Q), jnp.float32),
    )(logits)


def kernel(marg_i, cav_ij, C, field_i, edge_src, edge_dst, indice_ij):
    del marg_i
    temp2 = _mmlog(cav_ij, C)
    p0, p1 = _segment_sum_sc(temp2, edge_dst.astype(jnp.int32))
    marg = _combine(field_i, p0, p1)
    logits = _gather_sub_sc(marg, temp2, edge_src.astype(jnp.int32),
                            indice_ij.astype(jnp.int32))
    cav = _softmax(logits)
    return (marg, cav)

# --- scband reference (transcript-rebuilt; emitter-appended) ---
"""Pipeline reference for scband-bplayer-81449759801461 (READ-ONLY COPY).

The authoritative reference and input builder live on the scoring server;
editing this copy changes nothing except your own understanding.
"""

import jax, jax.numpy as jnp
import numpy as np

EPS = 1e-10
N_NODES = 10000
N_EDGES = 320000
Q = 128


def setup_inputs(seed: int = 0) -> dict:
    key = jax.random.key(seed)
    k1, k2, k3, k4, k5, k6, k7 = jax.random.split(key, 7)
    marg_i = jax.random.normal(k1, (N_NODES, Q), dtype=jnp.float32)
    # cavity messages: positive (probability-like) so log(cav @ C + eps) is well-defined
    cav_ij = jax.random.uniform(k2, (N_EDGES, Q), dtype=jnp.float32)
    # coupling matrix C: positive entries (Potts-like transfer matrix)
    C = jax.random.uniform(k3, (Q, Q), dtype=jnp.float32)
    field_i = jax.random.normal(k4, (N_NODES, Q), dtype=jnp.float32)
    edge_src = jax.random.randint(k5, (N_EDGES,), 0, N_NODES, dtype=jnp.int64) if jax.config.jax_enable_x64 else jax.random.randint(k5, (N_EDGES,), 0, N_NODES, dtype=jnp.int32)
    edge_dst = jax.random.randint(k6, (N_EDGES,), 0, N_NODES, dtype=jnp.int32)
    indice_ij = jax.random.randint(k7, (N_EDGES,), 0, N_EDGES, dtype=jnp.int32)
    return {"marg_i": marg_i, "cav_ij": cav_ij, "C": C, "field_i": field_i,
            "edge_src": edge_src, "edge_dst": edge_dst, "indice_ij": indice_ij}


def reference(marg_i, cav_ij, C, field_i, edge_src, edge_dst, indice_ij):
    # temp2 = log(cav_ij @ C + eps)              [E, q]
    temp2 = jnp.log(cav_ij @ C + EPS)
    # marg_i = spmm(B_, temp2) + field_i : B_ is the [N, E] edge->node incidence
    # (one nonzero per edge at its destination node) -> scatter-add over dst
    marg = jax.ops.segment_sum(temp2, edge_dst, num_segments=N_NODES) + field_i
    # spmm(A1, marg_i) : A1 is the [E, N] node->edge selection (one nonzero per
    # edge at its source node) -> gather rows of marg by edge_src
    logits = jnp.take(marg, edge_src, axis=0) - jnp.take(temp2, indice_ij, axis=0)
    cav = jax.nn.softmax(logits, axis=1)
    return (marg, cav)

if __name__ == "__main__":
    import jax
    _d = setup_inputs()
    print(jax.jit(kernel)(*tuple(_d.values())))

</pallas_src>

<mosaic_0001>
#map = affine_map<(d0, d1) -> (0, 0)>
#map1 = affine_map<(d0, d1) -> (0)>
module attributes {stable_mosaic.version = 14 : i64} {
  func.func @_gather_body(%arg0: i32, %arg1: i32, %arg2: memref<10000x128xf32, #tpu.memory_space<hbm>>, %arg3: memref<320000x128xf32, #tpu.memory_space<hbm>>, %arg4: memref<320000xi32, #tpu.memory_space<hbm>>, %arg5: memref<320000xi32, #tpu.memory_space<hbm>>, %arg6: memref<320000x128xf32, #tpu.memory_space<hbm>>, %arg7: memref<80x128xf32, #tpu.memory_space<vmem>>, %arg8: memref<80x128xf32, #tpu.memory_space<vmem>>, %arg9: memref<80x128xf32, #tpu.memory_space<vmem>>, %arg10: memref<80x128xf32, #tpu.memory_space<vmem>>, %arg11: memref<80x128xf32, #tpu.memory_space<vmem>>, %arg12: memref<80x128xf32, #tpu.memory_space<vmem>>, %arg13: memref<80xi32, #tpu.memory_space<vmem>>, %arg14: memref<80xi32, #tpu.memory_space<vmem>>, %arg15: memref<80xi32, #tpu.memory_space<vmem>>, %arg16: memref<80xi32, #tpu.memory_space<vmem>>, %arg17: memref<!tpu.dma_semaphore, #tpu.memory_space<semaphore_mem>>, %arg18: memref<!tpu.dma_semaphore, #tpu.memory_space<semaphore_mem>>, %arg19: memref<!tpu.dma_semaphore, #tpu.memory_space<semaphore_mem>>, %arg20: memref<!tpu.dma_semaphore, #tpu.memory_space<semaphore_mem>>, %arg21: memref<!tpu.dma_semaphore, #tpu.memory_space<semaphore_mem>>, %arg22: memref<!tpu.dma_semaphore, #tpu.memory_space<semaphore_mem>>) attributes {dimension_semantics = [#tpu.dimension_semantics<core_parallel>, #tpu.dimension_semantics<subcore_parallel>], iteration_bounds = array<i64: 2, 16>, scalar_prefetch = 0 : i64, scratch_operands = 16 : i64, tpu.core_type = #tpu.core_type<sc_vector_subcore>, window_params = [{transform_indices = #map}, {transform_indices = #map}, {transform_indices = #map1}, {transform_indices = #map1}, {transform_indices = #map}]} {
    %mul3A = arith.constant 16 : i32
    %mul3A_0 = arith.muli %arg0, %mul3A : i32
    %add3A = arith.addi %mul3A_0, %arg1 : i32
    %mul3A_1 = arith.constant 10000 : i32
    %mul3A_2 = arith.muli %add3A, %mul3A_1 : i32
    %add3A_3 = arith.constant 0 : i32
    %add3A_4 = arith.addi %mul3A_2, %add3A_3 : i32
    %dma_start3A = tpu.memref_slice %arg4[%add3A_4] : memref<320000xi32, #tpu.memory_space<hbm>> -> memref<80xi32, #tpu.memory_space<hbm>>
    %dma_start3A_5 = tpu.memref_slice %arg4[%add3A_4] : memref<320000xi32, #tpu.memory_space<hbm>> -> memref<80xi32, #tpu.memory_space<hbm>>
    tpu.enqueue_dma source(%dma_start3A_5 : memref<80xi32, #tpu.memory_space<hbm>>) target(%arg13 : memref<80xi32, #tpu.memory_space<vmem>>) target_semaphore(%arg19 : memref<!tpu.dma_semaphore, #tpu.memory_space<semaphore_mem>>)
    %dma_start3A_6 = tpu.memref_slice %arg5[%add3A_4] : memref<320000xi32, #tpu.memory_space<hbm>> -> memref<80xi32, #tpu.memory_space<hbm>>
    %dma_start3A_7 = tpu.memref_slice %arg5[%add3A_4] : memref<320000xi32, #tpu.memory_space<hbm>> -> memref<80xi32, #tpu.memory_space<hbm>>
    tpu.enqueue_dma source(%dma_start3A_7 : memref<80xi32, #tpu.memory_space<hbm>>) target(%arg15 : memref<80xi32, #tpu.memory_space<vmem>>) target_semaphore(%arg19 : memref<!tpu.dma_semaphore, #tpu.memory_space<semaphore_mem>>)
    %dma_wait3A = arith.constant 0 : i32
    %dma_wait3A_8 = tpu.memref_slice %arg4[%dma_wait3A] : memref<320000xi32, #tpu.memory_space<hbm>> -> memref<80xi32, #tpu.memory_space<hbm>>
    %dma_wait3A_9 = arith.constant 0 : i32
    %dma_wait3A_10 = tpu.memref_slice %arg4[%dma_wait3A_9] : memref<320000xi32, #tpu.memory_space<hbm>> -> memref<80xi32, #tpu.memory_space<hbm>>
    tpu.wait_dma2 semaphore(%arg19 : memref<!tpu.dma_semaphore, #tpu.memory_space<semaphore_mem>>) src(%dma_wait3A_10 : memref<80xi32, #tpu.memory_space<hbm>>) dst(%arg13 : memref<80xi32, #tpu.memory_space<vmem>>)
    %dma_wait3A_11 = arith.constant 0 : i32
    %dma_wait3A_12 = tpu.memref_slice %arg5[%dma_wait3A_11] : memref<320000xi32, #tpu.memory_space<hbm>> -> memref<80xi32, #tpu.memory_space<hbm>>
    %dma_wait3A_13 = arith.constant 0 : i32
    %dma_wait3A_14 = tpu.memref_slice %arg5[%dma_wait3A_13] : memref<320000xi32, #tpu.memory_space<hbm>> -> memref<80xi32, #tpu.memory_space<hbm>>
    tpu.wait_dma2 semaphore(%arg19 : memref<!tpu.dma_semaphore, #tpu.memory_space<semaphore_mem>>) src(%dma_wait3A_14 : memref<80xi32, #tpu.memory_space<hbm>>) dst(%arg15 : memref<80xi32, #tpu.memory_space<vmem>>)
    %dma_start3A_15 = arith.constant 0 : i32
    %dma_start3A_16 = arith.constant 0 : i32
    %dma_start3A_17 = tpu.memref_slice %arg2[%dma_start3A_15, %dma_start3A_16] : memref<10000x128xf32, #tpu.memory_space<hbm>> -> memref<10000x128xf32, #tpu.memory_space<hbm>>
    tpu.enqueue_indirect_dma source(%dma_start3A_17 : memref<10000x128xf32, #tpu.memory_space<hbm>>) target(%arg7 : memref<80x128xf32, #tpu.memory_space<vmem>>) offsets(%arg13 : memref<80xi32, #tpu.memory_space<vmem>>) semaphore(%arg17 : memref<!tpu.dma_semaphore, #tpu.memory_space<semaphore_mem>>)
    %dma_start3A_18 = arith.constant 0 : i32
    %dma_start3A_19 = arith.constant 0 : i32
    %dma_start3A_20 = tpu.memref_slice %arg3[%dma_start3A_18, %dma_start3A_19] : memref<320000x128xf32, #tpu.memory_space<hbm>> -> memref<320000x128xf32, #tpu.memory_space<hbm>>
    tpu.enqueue_indirect_dma source(%dma_start3A_20 : memref<320000x128xf32, #tpu.memory_space<hbm>>) target(%arg9 : memref<80x128xf32, #tpu.memory_space<vmem>>) offsets(%arg15 : memref<80xi32, #tpu.memory_space<vmem>>) semaphore(%arg17 : memref<!tpu.dma_semaphore, #tpu.memory_space<semaphore_mem>>)
    %add3A_21 = arith.constant 80 : i32
    %add3A_22 = arith.addi %mul3A_2, %add3A_21 : i32
    %dma_start3A_23 = tpu.memref_slice %arg4[%add3A_22] : memref<320000xi32, #tpu.memory_space<hbm>> -> memref<80xi32, #tpu.memory_space<hbm>>
    %dma_start3A_24 = tpu.memref_slice %arg4[%add3A_22] : memref<320000xi32, #tpu.memory_space<hbm>> -> memref<80xi32, #tpu.memory_space<hbm>>
    tpu.enqueue_dma source(%dma_start3A_24 : memref<80xi32, #tpu.memory_space<hbm>>) target(%arg14 : memref<80xi32, #tpu.memory_space<vmem>>) target_semaphore(%arg20 : memref<!tpu.dma_semaphore, #tpu.memory_space<semaphore_mem>>)
    %dma_start3A_25 = tpu.memref_slice %arg5[%add3A_22] : memref<320000xi32, #tpu.memory_space<hbm>> -> memref<80xi32, #tpu.memory_space<hbm>>
    %dma_start3A_26 = tpu.memref_slice %arg5[%add3A_22] : memref<320000xi32, #tpu.memory_space<hbm>> -> memref<80xi32, #tpu.memory_space<hbm>>
    tpu.enqueue_dma source(%dma_start3A_26 : memref<80xi32, #tpu.memory_space<hbm>>) target(%arg16 : memref<80xi32, #tpu.memory_space<vmem>>) target_semaphore(%arg20 : memref<!tpu.dma_semaphore, #tpu.memory_space<semaphore_mem>>)
    %scan3A = arith.constant 0 : i32
    %scan3A_27 = arith.constant 0 : i32
    %scan3A_28 = arith.constant 62 : i32
    %scan3A_29 = arith.addi %scan3A_27, %scan3A_28 : i32
    %scan3A_30 = arith.constant 1 : i32
    %scan3A_31 = scf.for %scan3A_76 = %scan3A_27 to %scan3A_29 step %scan3A_30 iter_args(%scan3A_77 = %scan3A) -> (i32)  : i32 {
      %mul3A_78 = arith.constant 2 : i32
      %mul3A_79 = arith.muli %mul3A_78, %scan3A_76 : i32
      %add3A_80 = arith.constant 0 : i32
      %add3A_81 = arith.addi %mul3A_79, %add3A_80 : i32
      %dma_wait3A_82 = arith.constant 0 : i32
      %dma_wait3A_83 = tpu.memref_slice %arg4[%dma_wait3A_82] : memref<320000xi32, #tpu.memory_space<hbm>> -> memref<80xi32, #tpu.memory_space<hbm>>
      %dma_wait3A_84 = arith.constant 0 : i32
      %dma_wait3A_85 = tpu.memref_slice %arg4[%dma_wait3A_84] : memref<320000xi32, #tpu.memory_space<hbm>> -> memref<80xi32, #tpu.memory_space<hbm>>
      tpu.wait_dma2 semaphore(%arg20 : memref<!tpu.dma_semaphore, #tpu.memory_space<semaphore_mem>>) src(%dma_wait3A_85 : memref<80xi32, #tpu.memory_space<hbm>>) dst(%arg14 : memref<80xi32, #tpu.memory_space<vmem>>)
      %dma_wait3A_86 = arith.constant 0 : i32
      %dma_wait3A_87 = tpu.memref_slice %arg5[%dma_wait3A_86] : memref<320000xi32, #tpu.memory_space<hbm>> -> memref<80xi32, #tpu.memory_space<hbm>>
      %dma_wait3A_88 = arith.constant 0 : i32
      %dma_wait3A_89 = tpu.memref_slice %arg5[%dma_wait3A_88] : memref<320000xi32, #tpu.memory_space<hbm>> -> memref<80xi32, #tpu.memory_space<hbm>>
      tpu.wait_dma2 semaphore(%arg20 : memref<!tpu.dma_semaphore, #tpu.memory_space<semaphore_mem>>) src(%dma_wait3A_89 : memref<80xi32, #tpu.memory_space<hbm>>) dst(%arg16 : memref<80xi32, #tpu.memory_space<vmem>>)
      %dma_start3A_90 = arith.constant 0 : i32
      %dma_start3A_91 = arith.constant 0 : i32
      %dma_start3A_92 = tpu.memref_slice %arg2[%dma_start3A_90, %dma_start3A_91] : memref<10000x128xf32, #tpu.memory_space<hbm>> -> memref<10000x128xf32, #tpu.memory_space<hbm>>
      tpu.enqueue_indirect_dma source(%dma_start3A_92 : memref<10000x128xf32, #tpu.memory_space<hbm>>) target(%arg8 : memref<80x128xf32, #tpu.memory_space<vmem>>) offsets(%arg14 : memref<80xi32, #tpu.memory_space<vmem>>) semaphore(%arg18 : memref<!tpu.dma_semaphore, #tpu.memory_space<semaphore_mem>>)
      %dma_start3A_93 = arith.constant 0 : i32
      %dma_start3A_94 = arith.constant 0 : i32
      %dma_start3A_95 = tpu.memref_slice %arg3[%dma_start3A_93, %dma_start3A_94] : memref<320000x128xf32, #tpu.memory_space<hbm>> -> memref<320000x128xf32, #tpu.memory_space<hbm>>
      tpu.enqueue_indirect_dma source(%dma_start3A_95 : memref<320000x128xf32, #tpu.memory_space<hbm>>) target(%arg10 : memref<80x128xf32, #tpu.memory_space<vmem>>) offsets(%arg16 : memref<80xi32, #tpu.memory_space<vmem>>) semaphore(%arg18 : memref<!tpu.dma_semaphore, #tpu.memory_space<semaphore_mem>>)
      %dma_wait3A_96 = arith.constant 0 : i32
      %dma_wait3A_97 = arith.constant 0 : i32
      %dma_wait3A_98 = tpu.memref_slice %arg2[%dma_wait3A_96, %dma_wait3A_97] : memref<10000x128xf32, #tpu.memory_space<hbm>> -> memref<80x128xf32, #tpu.memory_space<hbm>>
      %dma_wait3A_99 = arith.constant 0 : i32
      %dma_wait3A_100 = arith.constant 0 : i32
      %dma_wait3A_101 = tpu.memref_slice %arg2[%dma_wait3A_99, %dma_wait3A_100] : memref<10000x128xf32, #tpu.memory_space<hbm>> -> memref<80x128xf32, #tpu.memory_space<hbm>>
      tpu.wait_dma2 semaphore(%arg17 : memref<!tpu.dma_semaphore, #tpu.memory_space<semaphore_mem>>) src(%dma_wait3A_101 : memref<80x128xf32, #tpu.memory_space<hbm>>) dst(%arg7 : memref<80x128xf32, #tpu.memory_space<vmem>>)
      %dma_wait3A_102 = arith.constant 0 : i32
      %dma_wait3A_103 = arith.constant 0 : i32
      %dma_wait3A_104 = tpu.memref_slice %arg3[%dma_wait3A_102, %dma_wait3A_103] : memref<320000x128xf32, #tpu.memory_space<hbm>> -> memref<80x128xf32, #tpu.memory_space<hbm>>
      %dma_wait3A_105 = arith.constant 0 : i32
      %dma_wait3A_106 = arith.constant 0 : i32
      %dma_wait3A_107 = tpu.memref_slice %arg3[%dma_wait3A_105, %dma_wait3A_106] : memref<320000x128xf32, #tpu.memory_space<hbm>> -> memref<80x128xf32, #tpu.memory_space<hbm>>
      tpu.wait_dma2 semaphore(%arg17 : memref<!tpu.dma_semaphore, #tpu.memory_space<semaphore_mem>>) src(%dma_wait3A_107 : memref<80x128xf32, #tpu.memory_space<hbm>>) dst(%arg9 : memref<80x128xf32, #tpu.memory_space<vmem>>)
      %add3A_108 = arith.constant 2 : i32
      %add3A_109 = arith.addi %add3A_81, %add3A_108 : i32
      %lt3A = arith.constant 125 : i32
      %lt3A_110 = arith.cmpi slt, %add3A_109, %lt3A : i32
      %convert_element_type3A = arith.extui %lt3A_110 : i1 to i32
      %cond3A = arith.constant 0 : i32
      %cond3A_111 = arith.cmpi ne, %convert_element_type3A, %cond3A : i32
      scf.if %cond3A_111 {
        %add3A_185 = arith.constant 2 : i32
        %add3A_186 = arith.addi %add3A_81, %add3A_185 : i32
        %mul3A_187 = arith.constant 80 : i32
        %mul3A_188 = arith.muli %add3A_186, %mul3A_187 : i32
        %add3A_189 = arith.addi %mul3A_2, %mul3A_188 : i32
        %dma_start3A_190 = tpu.memref_slice %arg4[%add3A_189] : memref<320000xi32, #tpu.memory_space<hbm>> -> memref<80xi32, #tpu.memory_space<hbm>>
        %dma_start3A_191 = tpu.memref_slice %arg4[%add3A_189] : memref<320000xi32, #tpu.memory_space<hbm>> -> memref<80xi32, #tpu.memory_space<hbm>>
        tpu.enqueue_dma source(%dma_start3A_191 : memref<80xi32, #tpu.memory_space<hbm>>) target(%arg13 : memref<80xi32, #tpu.memory_space<vmem>>) target_semaphore(%arg19 : memref<!tpu.dma_semaphore, #tpu.memory_space<semaphore_mem>>)
        %dma_start3A_192 = tpu.memref_slice %arg5[%add3A_189] : memref<320000xi32, #tpu.memory_space<hbm>> -> memref<80xi32, #tpu.memory_space<hbm>>
        %dma_start3A_193 = tpu.memref_slice %arg5[%add3A_189] : memref<320000xi32, #tpu.memory_space<hbm>> -> memref<80xi32, #tpu.memory_space<hbm>>
        tpu.enqueue_dma source(%dma_start3A_193 : memref<80xi32, #tpu.memory_space<hbm>>) target(%arg15 : memref<80xi32, #tpu.memory_space<vmem>>) target_semaphore(%arg19 : memref<!tpu.dma_semaphore, #tpu.memory_space<semaphore_mem>>)
      } else {
      }
      %gt3A = arith.constant 0 : i32
      %gt3A_112 = arith.cmpi sgt, %scan3A_76, %gt3A : i32
      %convert_element_type3A_113 = arith.extui %gt3A_112 : i1 to i32
      %cond3A_114 = arith.constant 0 : i32
      %cond3A_115 = arith.cmpi ne, %convert_element_type3A_113, %cond3A_114 : i32
      scf.if %cond3A_115 {
        %dma_wait3A_185 = arith.constant 0 : i32
        %dma_wait3A_186 = arith.constant 0 : i32
        %dma_wait3A_187 = tpu.memref_slice %arg6[%dma_wait3A_185, %dma_wait3A_186] : memref<320000x128xf32, #tpu.memory_space<hbm>> -> memref<80x128xf32, #tpu.memory_space<hbm>>
        %dma_wait3A_188 = arith.constant 0 : i32
        %dma_wait3A_189 = arith.constant 0 : i32
        %dma_wait3A_190 = tpu.memref_slice %arg6[%dma_wait3A_188, %dma_wait3A_189] : memref<320000x128xf32, #tpu.memory_space<hbm>> -> memref<80x128xf32, #tpu.memory_space<hbm>>
        tpu.wait_dma2 semaphore(%arg21 : memref<!tpu.dma_semaphore, #tpu.memory_space<semaphore_mem>>) src(%arg11 : memref<80x128xf32, #tpu.memory_space<vmem>>) dst(%dma_wait3A_190 : memref<80x128xf32, #tpu.memory_space<hbm>>)
      } else {
      }
      %scan3A_116 = arith.constant 0 : i32
      %scan3A_117 = arith.constant 0 : i32
      %scan3A_118 = arith.constant 80 : i32
      %scan3A_119 = arith.addi %scan3A_117, %scan3A_118 : i32
      %scan3A_120 = arith.constant 1 : i32
      %scan3A_121 = scf.for %scan3A_185 = %scan3A_117 to %scan3A_119 step %scan3A_120 iter_args(%scan3A_186 = %scan3A_116) -> (i32)  : i32 {
        %get3A = arith.index_cast %scan3A_185 : i32 to index
        %get3A_187 = arith.constant 0 : index
        %get3A_188 = tpu.vector_load %arg7[%get3A, %get3A_187] {strides = array<i32>} : memref<80x128xf32, #tpu.memory_space<vmem>>, vector<1x16xf32>,
        %get3A_189 = vector.shape_cast %get3A_188 : vector<1x16xf32> to vector<16xf32>
        %get3A_190 = arith.index_cast %scan3A_185 : i32 to index
        %get3A_191 = arith.constant 0 : index
        %get3A_192 = tpu.vector_load %arg9[%get3A_190, %get3A_191] {strides = array<i32>} : memref<80x128xf32, #tpu.memory_space<vmem>>, vector<1x16xf32>,
        %get3A_193 = vector.shape_cast %get3A_192 : vector<1x16xf32> to vector<16xf32>
        %sub3A = arith.subf %get3A_189, %get3A_193 : vector<16xf32>
        %swap3A = arith.index_cast %scan3A_185 : i32 to index
        %swap3A_194 = arith.constant 0 : index
        %swap3A_195 = tpu.vector_load %arg11[%swap3A, %swap3A_194] {strides = array<i32>} : memref<80x128xf32, #tpu.memory_space<vmem>>, vector<1x16xf32>,
        %swap3A_196 = vector.shape_cast %swap3A_195 : vector<1x16xf32> to vector<16xf32>
        %swap3A_197 = vector.shape_cast %sub3A : vector<16xf32> to vector<1x16xf32>
        tpu.vector_store %arg11[%swap3A, %swap3A_194], %swap3A_197 {strides = array<i32>} : memref<80x128xf32, #tpu.memory_space<vmem>>, vector<1x16xf32>,
        %get3A_198 = arith.index_cast %scan3A_185 : i32 to index
        %get3A_199 = arith.constant 16 : index
        %get3A_200 = tpu.vector_load %arg7[%get3A_198, %get3A_199] {strides = array<i32>} : memref<80x128xf32, #tpu.memory_space<vmem>>, vector<1x16xf32>,
        %get3A_201 = vector.shape_cast %get3A_200 : vector<1x16xf32> to vector<16xf32>
        %get3A_202 = arith.index_cast %scan3A_185 : i32 to index
        %get3A_203 = arith.constant 16 : index
        %get3A_204 = tpu.vector_load %arg9[%get3A_202, %get3A_203] {strides = array<i32>} : memref<80x128xf32, #tpu.memory_space<vmem>>, vector<1x16xf32>,
        %get3A_205 = vector.shape_cast %get3A_204 : vector<1x16xf32> to vector<16xf32>
        %sub3A_206 = arith.subf %get3A_201, %get3A_205 : vector<16xf32>
        %swap3A_207 = arith.index_cast %scan3A_185 : i32 to index
        %swap3A_208 = arith.constant 16 : index
        %swap3A_209 = tpu.vector_load %arg11[%swap3A_207, %swap3A_208] {strides = array<i32>} : memref<80x128xf32, #tpu.memory_space<vmem>>, vector<1x16xf32>,
        %swap3A_210 = vector.shape_cast %swap3A_209 : vector<1x16xf32> to vector<16xf32>
        %swap3A_211 = vector.shape_cast %sub3A_206 : vector<16xf32> to vector<1x16xf32>
        tpu.vector_store %arg11[%swap3A_207, %swap3A_208], %swap3A_211 {strides = array<i32>} : memref<80x128xf32, #tpu.memory_space<vmem>>, vector<1x16xf32>,
        %get3A_212 = arith.index_cast %scan3A_185 : i32 to index
        %get3A_213 = arith.constant 32 : index
        %get3A_214 = tpu.vector_load %arg7[%get3A_212, %get3A_213] {strides = array<i32>} : memref<80x128xf32, #tpu.memory_space<vmem>>, vector<1x16xf32>,
        %get3A_215 = vector.shape_cast %get3A_214 : vector<1x16xf32> to vector<16xf32>
        %get3A_216 = arith.index_cast %scan3A_185 : i32 to index
        %get3A_217 = arith.constant 32 : index
        %get3A_218 = tpu.vector_load %arg9[%get3A_216, %get3A_217] {strides = array<i32>} : memref<80x128xf32, #tpu.memory_space<vmem>>, vector<1x16xf32>,
        %get3A_219 = vector.shape_cast %get3A_218 : vector<1x16xf32> to vector<16xf32>
        %sub3A_220 = arith.subf %get3A_215, %get3A_219 : vector<16xf32>
        %swap3A_221 = arith.index_cast %scan3A_185 : i32 to index
        %swap3A_222 = arith.constant 32 : index
        %swap3A_223 = tpu.vector_load %arg11[%swap3A_221, %swap3A_222] {strides = array<i32>} : memref<80x128xf32, #tpu.memory_space<vmem>>, vector<1x16xf32>,
        %swap3A_224 = vector.shape_cast %swap3A_223 : vector<1x16xf32> to vector<16xf32>
        %swap3A_225 = vector.shape_cast %sub3A_220 : vector<16xf32> to vector<1x16xf32>
        tpu.vector_store %arg11[%swap3A_221, %swap3A_222], %swap3A_225 {strides = array<i32>} : memref<80x128xf32, #tpu.memory_space<vmem>>, vector<1x16xf32>,
        %get3A_226 = arith.index_cast %scan3A_185 : i32 to index
        %get3A_227 = arith.constant 48 : index
        %get3A_228 = tpu.vector_load %arg7[%get3A_226, %get3A_227] {strides = array<i32>} : memref<80x128xf32, #tpu.memory_space<vmem>>, vector<1x16xf32>,
        %get3A_229 = vector.shape_cast %get3A_228 : vector<1x16xf32> to vector<16xf32>
        %get3A_230 = arith.index_cast %scan3A_185 : i32 to index
        %get3A_231 = arith.constant 48 : index
        %get3A_232 = tpu.vector_load %arg9[%get3A_230, %get3A_231] {strides = array<i32>} : memref<80x128xf32, #tpu.memory_space<vmem>>, vector<1x16xf32>,
        %get3A_233 = vector.shape_cast %get3A_232 : vector<1x16xf32> to vector<16xf32>
        %sub3A_234 = arith.subf %get3A_229, %get3A_233 : vector<16xf32>
        %swap3A_235 = arith.index_cast %scan3A_185 : i32 to index
        %swap3A_236 = arith.constant 48 : index
        %swap3A_237 = tpu.vector_load %arg11[%swap3A_235, %swap3A_236] {strides = array<i32>} : memref<80x128xf32, #tpu.memory_space<vmem>>, vector<1x16xf32>,
        %swap3A_238 = vector.shape_cast %swap3A_237 : vector<1x16xf32> to vector<16xf32>
        %swap3A_239 = vector.shape_cast %sub3A_234 : vector<16xf32> to vector<1x16xf32>
        tpu.vector_store %arg11[%swap3A_235, %swap3A_236], %swap3A_239 {strides = array<i32>} : memref<80x128xf32, #tpu.memory_space<vmem>>, vector<1x16xf32>,
        %get3A_240 = arith.index_cast %scan3A_185 : i32 to index
        %get3A_241 = arith.constant 64 : index
        %get3A_242 = tpu.vector_load %arg7[%get3A_240, %get3A_241] {strides = array<i32>} : memref<80x128xf32, #tpu.memory_space<vmem>>, vector<1x16xf32>,
        %get3A_243 = vector.shape_cast %get3A_242 : vector<1x16xf32> to vector<16xf32>
        %get3A_244 = arith.index_cast %scan3A_185 : i32 to index
        %get3A_245 = arith.constant 64 : index
        %get3A_246 = tpu.vector_load %arg9[%get3A_244, %get3A_245] {strides = array<i32>} : memref<80x128xf32, #tpu.memory_space<vmem>>, vector<1x16xf32>,
        %get3A_247 = vector.shape_cast %get3A_246 : vector<1x16xf32> to vector<16xf32>
        %sub3A_248 = arith.subf %get3A_243, %get3A_247 : vector<16xf32>
        %swap3A_249 = arith.index_cast %scan3A_185 : i32 to index
        %swap3A_250 = arith.constant 64 : index
        %swap3A_251 = tpu.vector_load %arg11[%swap3A_249, %swap3A_250] {strides = array<i32>} : memref<80x128xf32, #tpu.memory_space<vmem>>, vector<1x16xf32>,
        %swap3A_252 = vector.shape_cast %swap3A_251 : vector<1x16xf32> to vector<16xf32>
        %swap3A_253 = vector.shape_cast %sub3A_248 : vector<16xf32> to vector<1x16xf32>
        tpu.vector_store %arg11[%swap3A_249, %swap3A_250], %swap3A_253 {strides = array<i32>} : memref<80x128xf32, #tpu.memory_space<vmem>>, vector<1x16xf32>,
        %get3A_254 = arith.index_cast %scan3A_185 : i32 to index
        %get3A_255 = arith.constant 80 : index
        %get3A_256 = tpu.vector_load %arg7[%get3A_254, %get3A_255] {strides = array<i32>} : memref<80x128xf32, #tpu.memory_space<vmem>>, vector<1x16xf32>,
        %get3A_257 = vector.shape_cast %get3A_256 : vector<1x16xf32> to vector<16xf32>
        %get3A_258 = arith.index_cast %scan3A_185 : i32 to index
        %get3A_259 = arith.constant 80 : index
        %get3A_260 = tpu.vector_load %arg9[%get3A_258, %get3A_259] {strides = array<i32>} : memref<80x128xf32, #tpu.memory_space<vmem>>, vector<1x16xf32>,
        %get3A_261 = vector.shape_cast %get3A_260 : vector<1x16xf32> to vector<16xf32>
        %sub3A_262 = arith.subf %get3A_257, %get3A_261 : vector<16xf32>
        %swap3A_263 = arith.index_cast %scan3A_185 : i32 to index
        %swap3A_264 = arith.constant 80 : index
        %swap3A_265 = tpu.vector_load %arg11[%swap3A_263, %swap3A_264] {strides = array<i32>} : memref<80x128xf32, #tpu.memory_space<vmem>>, vector<1x16xf32>,
        %swap3A_266 = vector.shape_cast %swap3A_265 : vector<1x16xf32> to vector<16xf32>
        %swap3A_267 = vector.shape_cast %sub3A_262 : vector<16xf32> to vector<1x16xf32>
        tpu.vector_store %arg11[%swap3A_263, %swap3A_264], %swap3A_267 {strides = array<i32>} : memref<80x128xf32, #tpu.memory_space<vmem>>, vector<1x16xf32>,
        %get3A_268 = arith.index_cast %scan3A_185 : i32 to index
        %get3A_269 = arith.constant 96 : index
        %get3A_270 = tpu.vector_load %arg7[%get3A_268, %get3A_269] {strides = array<i32>} : memref<80x128xf32, #tpu.memory_space<vmem>>, vector<1x16xf32>,
        %get3A_271 = vector.shape_cast %get3A_270 : vector<1x16xf32> to vector<16xf32>
        %get3A_272 = arith.index_cast %scan3A_185 : i32 to index
        %get3A_273 = arith.constant 96 : index
        %get3A_274 = tpu.vector_load %arg9[%get3A_272, %get3A_273] {strides = array<i32>} : memref<80x128xf32, #tpu.memory_space<vmem>>, vector<1x16xf32>,
        %get3A_275 = vector.shape_cast %get3A_274 : vector<1x16xf32> to vector<16xf32>
        %sub3A_276 = arith.subf %get3A_271, %get3A_275 : vector<16xf32>
        %swap3A_277 = arith.index_cast %scan3A_185 : i32 to index
        %swap3A_278 = arith.constant 96 : index
        %swap3A_279 = tpu.vector_load %arg11[%swap3A_277, %swap3A_278] {strides = array<i32>} : memref<80x128xf32, #tpu.memory_space<vmem>>, vector<1x16xf32>,
        %swap3A_280 = vector.shape_cast %swap3A_279 : vector<1x16xf32> to vector<16xf32>
        %swap3A_281 = vector.shape_cast %sub3A_276 : vector<16xf32> to vector<1x16xf32>
        tpu.vector_store %arg11[%swap3A_277, %swap3A_278], %swap3A_281 {strides = array<i32>} : memref<80x128xf32, #tpu.memory_space<vmem>>, vector<1x16xf32>,
        %get3A_282 = arith.index_cast %scan3A_185 : i32 to index
        %get3A_283 = arith.constant 112 : index
        %get3A_284 = tpu.vector_load %arg7[%get3A_282, %get3A_283] {strides = array<i32>} : memref<80x128xf32, #tpu.memory_space<vmem>>, vector<1x16xf32>,
        %get3A_285 = vector.shape_cast %get3A_284 : vector<1x16xf32> to vector<16xf32>
        %get3A_286 = arith.index_cast %scan3A_185 : i32 to index
        %get3A_287 = arith.constant 112 : index
        %get3A_288 = tpu.vector_load %arg9[%get3A_286, %get3A_287] {strides = array<i32>} : memref<80x128xf32, #tpu.memory_space<vmem>>, vector<1x16xf32>,
        %get3A_289 = vector.shape_cast %get3A_288 : vector<1x16xf32> to vector<16xf32>
        %sub3A_290 = arith.subf %get3A_285, %get3A_289 : vector<16xf32>
        %swap3A_291 = arith.index_cast %scan3A_185 : i32 to index
        %swap3A_292 = arith.constant 112 : index
        %swap3A_293 = tpu.vector_load %arg11[%swap3A_291, %swap3A_292] {strides = array<i32>} : memref<80x128xf32, #tpu.memory_space<vmem>>, vector<1x16xf32>,
        %swap3A_294 = vector.shape_cast %swap3A_293 : vector<1x16xf32> to vector<16xf32>
        %swap3A_295 = vector.shape_cast %sub3A_290 : vector<16xf32> to vector<1x16xf32>
        tpu.vector_store %arg11[%swap3A_291, %swap3A_292], %swap3A_295 {strides = array<i32>} : memref<80x128xf32, #tpu.memory_space<vmem>>, vector<1x16xf32>,
        %scan3A_296 = arith.constant 0 : i32
        scf.yield %scan3A_296 : i32
      }
      %scan3A_122 = arith.constant 80 : i32
      %mul3A_123 = arith.constant 80 : i32
      %mul3A_124 = arith.muli %add3A_81, %mul3A_123 : i32
      %add3A_125 = arith.addi %mul3A_2, %mul3A_124 : i32
      %dma_start3A_126 = arith.constant 0 : i32
      %dma_start3A_127 = tpu.memref_slice %arg6[%add3A_125, %dma_start3A_126] : memref<320000x128xf32, #tpu.memory_space<hbm>> -> memref<80x128xf32, #tpu.memory_space<hbm>>
      %dma_start3A_128 = arith.constant 0 : i32
      %dma_start3A_129 = tpu.memref_slice %arg6[%add3A_125, %dma_start3A_128] : memref<320000x128xf32, #tpu.memory_space<hbm>> -> memref<80x128xf32, #tpu.memory_space<hbm>>
      tpu.enqueue_dma source(%arg11 : memref<80x128xf32, #tpu.memory_space<vmem>>) target(%dma_start3A_129 : memref<80x128xf32, #tpu.memory_space<hbm>>) target_semaphore(%arg21 : memref<!tpu.dma_semaphore, #tpu.memory_space<semaphore_mem>>)
      %add3A_130 = arith.constant 1 : i32
      %add3A_131 = arith.addi %mul3A_79, %add3A_130 : i32
      %dma_wait3A_132 = arith.constant 0 : i32
      %dma_wait3A_133 = tpu.memref_slice %arg4[%dma_wait3A_132] : memref<320000xi32, #tpu.memory_space<hbm>> -> memref<80xi32, #tpu.memory_space<hbm>>
      %dma_wait3A_134 = arith.constant 0 : i32
      %dma_wait3A_135 = tpu.memref_slice %arg4[%dma_wait3A_134] : memref<320000xi32, #tpu.memory_space<hbm>> -> memref<80xi32, #tpu.memory_space<hbm>>
      tpu.wait_dma2 semaphore(%arg19 : memref<!tpu.dma_semaphore, #tpu.memory_space<semaphore_mem>>) src(%dma_wait3A_135 : memref<80xi32, #tpu.memory_space<hbm>>) dst(%arg13 : memref<80xi32, #tpu.memory_space<vmem>>)
      %dma_wait3A_136 = arith.constant 0 : i32
      %dma_wait3A_137 = tpu.memref_slice %arg5[%dma_wait3A_136] : memref<320000xi32, #tpu.memory_space<hbm>> -> memref<80xi32, #tpu.memory_space<hbm>>
      %dma_wait3A_138 = arith.constant 0 : i32
      %dma_wait3A_139 = tpu.memref_slice %arg5[%dma_wait3A_138] : memref<320000xi32, #tpu.memory_space<hbm>> -> memref<80xi32, #tpu.memory_space<hbm>>
      tpu.wait_dma2 semaphore(%arg19 : memref<!tpu.dma_semaphore, #tpu.memory_space<semaphore_mem>>) src(%dma_wait3A_139 : memref<80xi32, #tpu.memory_space<hbm>>) dst(%arg15 : memref<80xi32, #tpu.memory_space<vmem>>)
      %dma_start3A_140 = arith.constant 0 : i32
      %dma_start3A_141 = arith.constant 0 : i32
      %dma_start3A_142 = tpu.memref_slice %arg2[%dma_start3A_140, %dma_start3A_141] : memref<10000x128xf32, #tpu.memory_space<hbm>> -> memref<10000x128xf32, #tpu.memory_space<hbm>>
      tpu.enqueue_indirect_dma source(%dma_start3A_142 : memref<10000x128xf32, #tpu.memory_space<hbm>>) target(%arg7 : memref<80x128xf32, #tpu.memory_space<vmem>>) offsets(%arg13 : memref<80xi32, #tpu.memory_space<vmem>>) semaphore(%arg17 : memref<!tpu.dma_semaphore, #tpu.memory_space<semaphore_mem>>)
      %dma_start3A_143 = arith.constant 0 : i32
      %dma_start3A_144 = arith.constant 0 : i32
      %dma_start3A_145 = tpu.memref_slice %arg3[%dma_start3A_143, %dma_start3A_144] : memref<320000x128xf32, #tpu.memory_space<hbm>> -> memref<320000x128xf32, #tpu.memory_space<hbm>>
      tpu.enqueue_indirect_dma source(%dma_start3A_145 : memref<320000x128xf32, #tpu.memory_space<hbm>>) target(%arg9 : memref<80x128xf32, #tpu.memory_space<vmem>>) offsets(%arg15 : memref<80xi32, #tpu.memory_space<vmem>>) semaphore(%arg17 : memref<!tpu.dma_semaphore, #tpu.memory_space<semaphore_mem>>)
      %dma_wait3A_146 = arith.constant 0 : i32
      %dma_wait3A_147 = arith.constant 0 : i32
      %dma_wait3A_148 = tpu.memref_slice %arg2[%dma_wait3A_146, %dma_wait3A_147] : memref<10000x128xf32, #tpu.memory_space<hbm>> -> memref<80x128xf32, #tpu.memory_space<hbm>>
      %dma_wait3A_149 = arith.constant 0 : i32
      %dma_wait3A_150 = arith.constant 0 : i32
      %dma_wait3A_151 = tpu.memref_slice %arg2[%dma_wait3A_149, %dma_wait3A_150] : memref<10000x128xf32, #tpu.memory_space<hbm>> -> memref<80x128xf32, #tpu.memory_space<hbm>>
      tpu.wait_dma2 semaphore(%arg18 : memref<!tpu.dma_semaphore, #tpu.memory_space<semaphore_mem>>) src(%dma_wait3A_151 : memref<80x128xf32, #tpu.memory_space<hbm>>) dst(%arg8 : memref<80x128xf32, #tpu.memory_space<vmem>>)
      %dma_wait3A_152 = arith.constant 0 : i32
      %dma_wait3A_153 = arith.constant 0 : i32
      %dma_wait3A_154 = tpu.memref_slice %arg3[%dma_wait3A_152, %dma_wait3A_153] : memref<320000x128xf32, #tpu.memory_space<hbm>> -> memref<80x128xf32, #tpu.memory_space<hbm>>
      %dma_wait3A_155 = arith.constant 0 : i32
      %dma_wait3A_156 = arith.constant 0 : i32
      %dma_wait3A_157 = tpu.memref_slice %arg3[%dma_wait3A_155, %dma_wait3A_156] : memref<320000x128xf32, #tpu.memory_space<hbm>> -> memref<80x128xf32, #tpu.memory_space<hbm>>
      tpu.wait_dma2 semaphore(%arg18 : memref<!tpu.dma_semaphore, #tpu.memory_space<semaphore_mem>>) src(%dma_wait3A_157 : memref<80x128xf32, #tpu.memory_space<hbm>>) dst(%arg10 : memref<80x128xf32, #tpu.memory_space<vmem>>)
      %add3A_158 = arith.constant 2 : i32
      %add3A_159 = arith.addi %add3A_131, %add3A_158 : i32
      %lt3A_160 = arith.constant 125 : i32
      %lt3A_161 = arith.cmpi slt, %add3A_159, %lt3A_160 : i32
      %convert_element_type3A_162 = arith.extui %lt3A_161 : i1 to i32
      %cond3A_163 = arith.constant 0 : i32
      %cond3A_164 = arith.cmpi ne, %convert_element_type3A_162, %cond3A_163 : i32
      scf.if %cond3A_164 {
        %add3A_185 = arith.constant 2 : i32
        %add3A_186 = arith.addi %add3A_131, %add3A_185 : i32
        %mul3A_187 = arith.constant 80 : i32
        %mul3A_188 = arith.muli %add3A_186, %mul3A_187 : i32
        %add3A_189 = arith.addi %mul3A_2, %mul3A_188 : i32
        %dma_start3A_190 = tpu.memref_slice %arg4[%add3A_189] : memref<320000xi32, #tpu.memory_space<hbm>> -> memref<80xi32, #tpu.memory_space<hbm>>
        %dma_start3A_191 = tpu.memref_slice %arg4[%add3A_189] : memref<320000xi32, #tpu.memory_space<hbm>> -> memref<80xi32, #tpu.memory_space<hbm>>
        tpu.enqueue_dma source(%dma_start3A_191 : memref<80xi32, #tpu.memory_space<hbm>>) target(%arg14 : memref<80xi32, #tpu.memory_space<vmem>>) target_semaphore(%arg20 : memref<!tpu.dma_semaphore, #tpu.memory_space<semaphore_mem>>)
        %dma_start3A_192 = tpu.memref_slice %arg5[%add3A_189] : memref<320000xi32, #tpu.memory_space<hbm>> -> memref<80xi32, #tpu.memory_space<hbm>>
        %dma_start3A_193 = tpu.memref_slice %arg5[%add3A_189] : memref<320000xi32, #tpu.memory_space<hbm>> -> memref<80xi32, #tpu.memory_space<hbm>>
        tpu.enqueue_dma source(%dma_start3A_193 : memref<80xi32, #tpu.memory_space<hbm>>) target(%arg16 : memref<80xi32, #tpu.memory_space<vmem>>) target_semaphore(%arg20 : memref<!tpu.dma_semaphore, #tpu.memory_space<semaphore_mem>>)
      } else {
      }
      %gt3A_165 = arith.constant 0 : i32
      %gt3A_166 = arith.cmpi sgt, %scan3A_76, %gt3A_165 : i32
      %convert_element_type3A_167 = arith.extui %gt3A_166 : i1 to i32
      %cond3A_168 = arith.constant 0 : i32
      %cond3A_169 = arith.cmpi ne, %convert_element_type3A_167, %cond3A_168 : i32
      scf.if %cond3A_169 {
        %dma_wait3A_185 = arith.constant 0 : i32
        %dma_wait3A_186 = arith.constant 0 : i32
        %dma_wait3A_187 = tpu.memref_slice %arg6[%dma_wait3A_185, %dma_wait3A_186] : memref<320000x128xf32, #tpu.memory_space<hbm>> -> memref<80x128xf32, #tpu.memory_space<hbm>>
        %dma_wait3A_188 = arith.constant 0 : i32
        %dma_wait3A_189 = arith.constant 0 : i32
        %dma_wait3A_190 = tpu.memref_slice %arg6[%dma_wait3A_188, %dma_wait3A_189] : memref<320000x128xf32, #tpu.memory_space<hbm>> -> memref<80x128xf32, #tpu.memory_space<hbm>>
        tpu.wait_dma2 semaphore(%arg22 : memref<!tpu.dma_semaphore, #tpu.memory_space<semaphore_mem>>) src(%arg12 : memref<80x128xf32, #tpu.memory_space<vmem>>) dst(%dma_wait3A_190 : memref<80x128xf32, #tpu.memory_space<hbm>>)
      } else {
      }
      %scan3A_170 = arith.constant 0 : i32
      %scan3A_171 = arith.constant 0 : i32
      %scan3A_172 = arith.constant 80 : i32
      %scan3A_173 = arith.addi %scan3A_171, %scan3A_172 : i32
      %scan3A_174 = arith.constant 1 : i32
      %scan3A_175 = scf.for %scan3A_185 = %scan3A_171 to %scan3A_173 step %scan3A_174 iter_args(%scan3A_186 = %scan3A_170) -> (i32)  : i32 {
        %get3A = arith.index_cast %scan3A_185 : i32 to index
        %get3A_187 = arith.constant 0 : index
        %get3A_188 = tpu.vector_load %arg8[%get3A, %get3A_187] {strides = array<i32>} : memref<80x128xf32, #tpu.memory_space<vmem>>, vector<1x16xf32>,
        %get3A_189 = vector.shape_cast %get3A_188 : vector<1x16xf32> to vector<16xf32>
        %get3A_190 = arith.index_cast %scan3A_185 : i32 to index
        %get3A_191 = arith.constant 0 : index
        %get3A_192 = tpu.vector_load %arg10[%get3A_190, %get3A_191] {strides = array<i32>} : memref<80x128xf32, #tpu.memory_space<vmem>>, vector<1x16xf32>,
        %get3A_193 = vector.shape_cast %get3A_192 : vector<1x16xf32> to vector<16xf32>
        %sub3A = arith.subf %get3A_189, %get3A_193 : vector<16xf32>
        %swap3A = arith.index_cast %scan3A_185 : i32 to index
        %swap3A_194 = arith.constant 0 : index
        %swap3A_195 = tpu.vector_load %arg12[%swap3A, %swap3A_194] {strides = array<i32>} : memref<80x128xf32, #tpu.memory_space<vmem>>, vector<1x16xf32>,
        %swap3A_196 = vector.shape_cast %swap3A_195 : vector<1x16xf32> to vector<16xf32>
        %swap3A_197 = vector.shape_cast %sub3A : vector<16xf32> to vector<1x16xf32>
        tpu.vector_store %arg12[%swap3A, %swap3A_194], %swap3A_197 {strides = array<i32>} : memref<80x128xf32, #tpu.memory_space<vmem>>, vector<1x16xf32>,
        %get3A_198 = arith.index_cast %scan3A_185 : i32 to index
        %get3A_199 = arith.constant 16 : index
        %get3A_200 = tpu.vector_load %arg8[%get3A_198, %get3A_199] {strides = array<i32>} : memref<80x128xf32, #tpu.memory_space<vmem>>, vector<1x16xf32>,
        %get3A_201 = vector.shape_cast %get3A_200 : vector<1x16xf32> to vector<16xf32>
        %get3A_202 = arith.index_cast %scan3A_185 : i32 to index
        %get3A_203 = arith.constant 16 : index
        %get3A_204 = tpu.vector_load %arg10[%get3A_202, %get3A_203] {strides = array<i32>} : memref<80x128xf32, #tpu.memory_space<vmem>>, vector<1x16xf32>,
        %get3A_205 = vector.shape_cast %get3A_204 : vector<1x16xf32> to vector<16xf32>
        %sub3A_206 = arith.subf %get3A_201, %get3A_205 : vector<16xf32>
        %swap3A_207 = arith.index_cast %scan3A_185 : i32 to index
        %swap3A_208 = arith.constant 16 : index
        %swap3A_209 = tpu.vector_load %arg12[%swap3A_207, %swap3A_208] {strides = array<i32>} : memref<80x128xf32, #tpu.memory_space<vmem>>, vector<1x16xf32>,
        %swap3A_210 = vector.shape_cast %swap3A_209 : vector<1x16xf32> to vector<16xf32>
        %swap3A_211 = vector.shape_cast %sub3A_206 : vector<16xf32> to vector<1x16xf32>
        tpu.vector_store %arg12[%swap3A_207, %swap3A_208], %swap3A_211 {strides = array<i32>} : memref<80x128xf32, #tpu.memory_space<vmem>>, vector<1x16xf32>,
        %get3A_212 = arith.index_cast %scan3A_185 : i32 to index
        %get3A_213 = arith.constant 32 : index
        %get3A_214 = tpu.vector_load %arg8[%get3A_212, %get3A_213] {strides = array<i32>} : memref<80x128xf32, #tpu.memory_space<vmem>>, vector<1x16xf32>,
        %get3A_215 = vector.shape_cast %get3A_214 : vector<1x16xf32> to vector<16xf32>
        %get3A_216 = arith.index_cast %scan3A_185 : i32 to index
        %get3A_217 = arith.constant 32 : index
        %get3A_218 = tpu.vector_load %arg10[%get3A_216, %get3A_217] {strides = array<i32>} : memref<80x128xf32, #tpu.memory_space<vmem>>, vector<1x16xf32>,
        %get3A_219 = vector.shape_cast %get3A_218 : vector<1x16xf32> to vector<16xf32>
        %sub3A_220 = arith.subf %get3A_215, %get3A_219 : vector<16xf32>
        %swap3A_221 = arith.index_cast %scan3A_185 : i32 to index
        %swap3A_222 = arith.constant 32 : index
        %swap3A_223 = tpu.vector_load %arg12[%swap3A_221, %swap3A_222] {strides = array<i32>} : memref<80x128xf32, #tpu.memory_space<vmem>>, vector<1x16xf32>,
        %swap3A_224 = vector.shape_cast %swap3A_223 : vector<1x16xf32> to vector<16xf32>
        %swap3A_225 = vector.shape_cast %sub3A_220 : vector<16xf32> to vector<1x16xf32>
        tpu.vector_store %arg12[%swap3A_221, %swap3A_222], %swap3A_225 {strides = array<i32>} : memref<80x128xf32, #tpu.memory_space<vmem>>, vector<1x16xf32>,
        %get3A_226 = arith.index_cast %scan3A_185 : i32 to index
        %get3A_227 = arith.constant 48 : index
        %get3A_228 = tpu.vector_load %arg8[%get3A_226, %get3A_227] {strides = array<i32>} : memref<80x128xf32, #tpu.memory_space<vmem>>, vector<1x16xf32>,
        %get3A_229 = vector.shape_cast %get3A_228 : vector<1x16xf32> to vector<16xf32>
        %get3A_230 = arith.index_cast %scan3A_185 : i32 to index
        %get3A_231 = arith.constant 48 : index
        %get3A_232 = tpu.vector_load %arg10[%get3A_230, %get3A_231] {strides = array<i32>} : memref<80x128xf32, #tpu.memory_space<vmem>>, vector<1x16xf32>,
        %get3A_233 = vector.shape_cast %get3A_232 : vector<1x16xf32> to vector<16xf32>
        %sub3A_234 = arith.subf %get3A_229, %get3A_233 : vector<16xf32>
        %swap3A_235 = arith.index_cast %scan3A_185 : i32 to index
        %swap3A_236 = arith.constant 48 : index
        %swap3A_237 = tpu.vector_load %arg12[%swap3A_235, %swap3A_236] {strides = array<i32>} : memref<80x128xf32, #tpu.memory_space<vmem>>, vector<1x16xf32>,
        %swap3A_238 = vector.shape_cast %swap3A_237 : vector<1x16xf32> to vector<16xf32>
        %swap3A_239 = vector.shape_cast %sub3A_234 : vector<16xf32> to vector<1x16xf32>
        tpu.vector_store %arg12[%swap3A_235, %swap3A_236], %swap3A_239 {strides = array<i32>} : memref<80x128xf32, #tpu.memory_space<vmem>>, vector<1x16xf32>,
        %get3A_240 = arith.index_cast %scan3A_185 : i32 to index
        %get3A_241 = arith.constant 64 : index
        %get3A_242 = tpu.vector_load %arg8[%get3A_240, %get3A_241] {strides = array<i32>} : memref<80x128xf32, #tpu.memory_space<vmem>>, vector<1x16xf32>,
        %get3A_243 = vector.shape_cast %get3A_242 : vector<1x16xf32> to vector<16xf32>
        %get3A_244 = arith.index_cast %scan3A_185 : i32 to index
        %get3A_245 = arith.constant 64 : index
        %get3A_246 = tpu.vector_load %arg10[%get3A_244, %get3A_245] {strides = array<i32>} : memref<80x128xf32, #tpu.memory_space<vmem>>, vector<1x16xf32>,
        %get3A_247 = vector.shape_cast %get3A_246 : vector<1x16xf32> to vector<16xf32>
        %sub3A_248 = arith.subf %get3A_243, %get3A_247 : vector<16xf32>
        %swap3A_249 = arith.index_cast %scan3A_185 : i32 to index
        %swap3A_250 = arith.constant 64 : index
        %swap3A_251 = tpu.vector_load %arg12[%swap3A_249, %swap3A_250] {strides = array<i32>} : memref<80x128xf32, #tpu.memory_space<vmem>>, vector<1x16xf32>,
        %swap3A_252 = vector.shape_cast %swap3A_251 : vector<1x16xf32> to vector<16xf32>
        %swap3A_253 = vector.shape_cast %sub3A_248 : vector<16xf32> to vector<1x16xf32>
        tpu.vector_store %arg12[%swap3A_249, %swap3A_250], %swap3A_253 {strides = array<i32>} : memref<80x128xf32, #tpu.memory_space<vmem>>, vector<1x16xf32>,
        %get3A_254 = arith.index_cast %scan3A_185 : i32 to index
        %get3A_255 = arith.constant 80 : index
        %get3A_256 = tpu.vector_load %arg8[%get3A_254, %get3A_255] {strides = array<i32>} : memref<80x128xf32, #tpu.memory_space<vmem>>, vector<1x16xf32>,
        %get3A_257 = vector.shape_cast %get3A_256 : vector<1x16xf32> to vector<16xf32>
        %get3A_258 = arith.index_cast %scan3A_185 : i32 to index
        %get3A_259 = arith.constant 80 : index
        %get3A_260 = tpu.vector_load %arg10[%get3A_258, %get3A_259] {strides = array<i32>} : memref<80x128xf32, #tpu.memory_space<vmem>>, vector<1x16xf32>,
        %get3A_261 = vector.shape_cast %get3A_260 : vector<1x16xf32> to vector<16xf32>
        %sub3A_262 = arith.subf %get3A_257, %get3A_261 : vector<16xf32>
        %swap3A_263 = arith.index_cast %scan3A_185 : i32 to index
        %swap3A_264 = arith.constant 80 : index
        %swap3A_265 = tpu.vector_load %arg12[%swap3A_263, %swap3A_264] {strides = array<i32>} : memref<80x128xf32, #tpu.memory_space<vmem>>, vector<1x16xf32>,
        %swap3A_266 = vector.shape_cast %swap3A_265 : vector<1x16xf32> to vector<16xf32>
        %swap3A_267 = vector.shape_cast %sub3A_262 : vector<16xf32> to vector<1x16xf32>
        tpu.vector_store %arg12[%swap3A_263, %swap3A_264], %swap3A_267 {strides = array<i32>} : memref<80x128xf32, #tpu.memory_space<vmem>>, vector<1x16xf32>,
        %get3A_268 = arith.index_cast %scan3A_185 : i32 to index
        %get3A_269 = arith.constant 96 : index
        %get3A_270 = tpu.vector_load %arg8[%get3A_268, %get3A_269] {strides = array<i32>} : memref<80x128xf32, #tpu.memory_space<vmem>>, vector<1x16xf32>,
        %get3A_271 = vector.shape_cast %get3A_270 : vector<1x16xf32> to vector<16xf32>
        %get3A_272 = arith.index_cast %scan3A_185 : i32 to index
        %get3A_273 = arith.constant 96 : index
        %get3A_274 = tpu.vector_load %arg10[%get3A_272, %get3A_273] {strides = array<i32>} : memref<80x128xf32, #tpu.memory_space<vmem>>, vector<1x16xf32>,
        %get3A_275 = vector.shape_cast %get3A_274 : vector<1x16xf32> to vector<16xf32>
        %sub3A_276 = arith.subf %get3A_271, %get3A_275 : vector<16xf32>
        %swap3A_277 = arith.index_cast %scan3A_185 : i32 to index
        %swap3A_278 = arith.constant 96 : index
        %swap3A_279 = tpu.vector_load %arg12[%swap3A_277, %swap3A_278] {strides = array<i32>} : memref<80x128xf32, #tpu.memory_space<vmem>>, vector<1x16xf32>,
        %swap3A_280 = vector.shape_cast %swap3A_279 : vector<1x16xf32> to vector<16xf32>
        %swap3A_281 = vector.shape_cast %sub3A_276 : vector<16xf32> to vector<1x16xf32>
        tpu.vector_store %arg12[%swap3A_277, %swap3A_278], %swap3A_281 {strides = array<i32>} : memref<80x128xf32, #tpu.memory_space<vmem>>, vector<1x16xf32>,
        %get3A_282 = arith.index_cast %scan3A_185 : i32 to index
        %get3A_283 = arith.constant 112 : index
        %get3A_284 = tpu.vector_load %arg8[%get3A_282, %get3A_283] {strides = array<i32>} : memref<80x128xf32, #tpu.memory_space<vmem>>, vector<1x16xf32>,
        %get3A_285 = vector.shape_cast %get3A_284 : vector<1x16xf32> to vector<16xf32>
        %get3A_286 = arith.index_cast %scan3A_185 : i32 to index
        %get3A_287 = arith.constant 112 : index
        %get3A_288 = tpu.vector_load %arg10[%get3A_286, %get3A_287] {strides = array<i32>} : memref<80x128xf32, #tpu.memory_space<vmem>>, vector<1x16xf32>,
        %get3A_289 = vector.shape_cast %get3A_288 : vector<1x16xf32> to vector<16xf32>
        %sub3A_290 = arith.subf %get3A_285, %get3A_289 : vector<16xf32>
        %swap3A_291 = arith.index_cast %scan3A_185 : i32 to index
        %swap3A_292 = arith.constant 112 : index
        %swap3A_293 = tpu.vector_load %arg12[%swap3A_291, %swap3A_292] {strides = array<i32>} : memref<80x128xf32, #tpu.memory_space<vmem>>, vector<1x16xf32>,
        %swap3A_294 = vector.shape_cast %swap3A_293 : vector<1x16xf32> to vector<16xf32>
        %swap3A_295 = vector.shape_cast %sub3A_290 : vector<16xf32> to vector<1x16xf32>
        tpu.vector_store %arg12[%swap3A_291, %swap3A_292], %swap3A_295 {strides = array<i32>} : memref<80x128xf32, #tpu.memory_space<vmem>>, vector<1x16xf32>,
        %scan3A_296 = arith.constant 0 : i32
        scf.yield %scan3A_296 : i32
      }
      %scan3A_176 = arith.constant 80 : i32
      %mul3A_177 = arith.constant 80 : i32
      %mul3A_178 = arith.muli %add3A_131, %mul3A_177 : i32
      %add3A_179 = arith.addi %mul3A_2, %mul3A_178 : i32
      %dma_start3A_180 = arith.constant 0 : i32
      %dma_start3A_181 = tpu.memref_slice %arg6[%add3A_179, %dma_start3A_180] : memref<320000x128xf32, #tpu.memory_space<hbm>> -> memref<80x128xf32, #tpu.memory_space<hbm>>
      %dma_start3A_182 = arith.constant 0 : i32
      %dma_start3A_183 = tpu.memref_slice %arg6[%add3A_179, %dma_start3A_182] : memref<320000x128xf32, #tpu.memory_space<hbm>> -> memref<80x128xf32, #tpu.memory_space<hbm>>
      tpu.enqueue_dma source(%arg12 : memref<80x128xf32, #tpu.memory_space<vmem>>) target(%dma_start3A_183 : memref<80x128xf32, #tpu.memory_space<hbm>>) target_semaphore(%arg22 : memref<!tpu.dma_semaphore, #tpu.memory_space<semaphore_mem>>)
      %scan3A_184 = arith.constant 0 : i32
      scf.yield %scan3A_184 : i32
    }
    %scan3A_32 = arith.constant 62 : i32
    %dma_wait3A_33 = arith.constant 0 : i32
    %dma_wait3A_34 = arith.constant 0 : i32
    %dma_wait3A_35 = tpu.memref_slice %arg2[%dma_wait3A_33, %dma_wait3A_34] : memref<10000x128xf32, #tpu.memory_space<hbm>> -> memref<80x128xf32, #tpu.memory_space<hbm>>
    %dma_wait3A_36 = arith.constant 0 : i32
    %dma_wait3A_37 = arith.constant 0 : i32
    %dma_wait3A_38 = tpu.memref_slice %arg2[%dma_wait3A_36, %dma_wait3A_37] : memref<10000x128xf32, #tpu.memory_space<hbm>> -> memref<80x128xf32, #tpu.memory_space<hbm>>
    tpu.wait_dma2 semaphore(%arg17 : memref<!tpu.dma_semaphore, #tpu.memory_space<semaphore_mem>>) src(%dma_wait3A_38 : memref<80x128xf32, #tpu.memory_space<hbm>>) dst(%arg7 : memref<80x128xf32, #tpu.memory_space<vmem>>)
    %dma_wait3A_39 = arith.constant 0 : i32
    %dma_wait3A_40 = arith.constant 0 : i32
    %dma_wait3A_41 = tpu.memref_slice %arg3[%dma_wait3A_39, %dma_wait3A_40] : memref<320000x128xf32, #tpu.memory_space<hbm>> -> memref<80x128xf32, #tpu.memory_space<hbm>>
    %dma_wait3A_42 = arith.constant 0 : i32
    %dma_wait3A_43 = arith.constant 0 : i32
    %dma_wait3A_44 = tpu.memref_slice %arg3[%dma_wait3A_42, %dma_wait3A_43] : memref<320000x128xf32, #tpu.memory_space<hbm>> -> memref<80x128xf32, #tpu.memory_space<hbm>>
    tpu.wait_dma2 semaphore(%arg17 : memref<!tpu.dma_semaphore, #tpu.memory_space<semaphore_mem>>) src(%dma_wait3A_44 : memref<80x128xf32, #tpu.memory_space<hbm>>) dst(%arg9 : memref<80x128xf32, #tpu.memory_space<vmem>>)
    %dma_wait3A_45 = arith.constant 0 : i32
    %dma_wait3A_46 = arith.constant 0 : i32
    %dma_wait3A_47 = tpu.memref_slice %arg6[%dma_wait3A_45, %dma_wait3A_46] : memref<320000x128xf32, #tpu.memory_space<hbm>> -> memref<80x128xf32, #tpu.memory_space<hbm>>
    %dma_wait3A_48 = arith.constant 0 : i32
    %dma_wait3A_49 = arith.constant 0 : i32
    %dma_wait3A_50 = tpu.memref_slice %arg6[%dma_wait3A_48, %dma_wait3A_49] : memref<320000x128xf32, #tpu.memory_space<hbm>> -> memref<80x128xf32, #tpu.memory_space<hbm>>
    tpu.wait_dma2 semaphore(%arg21 : memref<!tpu.dma_semaphore, #tpu.memory_space<semaphore_mem>>) src(%arg11 : memref<80x128xf32, #tpu.memory_space<vmem>>) dst(%dma_wait3A_50 : memref<80x128xf32, #tpu.memory_space<hbm>>)
    %scan3A_51 = arith.constant 0 : i32
    %scan3A_52 = arith.constant 0 : i32
    %scan3A_53 = arith.constant 80 : i32
    %scan3A_54 = arith.addi %scan3A_52, %scan3A_53 : i32
    %scan3A_55 = arith.constant 1 : i32
    %scan3A_56 = scf.for %scan3A_76 = %scan3A_52 to %scan3A_54 step %scan3A_55 iter_args(%scan3A_77 = %scan3A_51) -> (i32)  : i32 {
      %get3A = arith.index_cast %scan3A_76 : i32 to index
      %get3A_78 = arith.constant 0 : index
      %get3A_79 = tpu.vector_load %arg7[%get3A, %get3A_78] {strides = array<i32>} : memref<80x128xf32, #tpu.memory_space<vmem>>, vector<1x16xf32>,
      %get3A_80 = vector.shape_cast %get3A_79 : vector<1x16xf32> to vector<16xf32>
      %get3A_81 = arith.index_cast %scan3A_76 : i32 to index
      %get3A_82 = arith.constant 0 : index
      %get3A_83 = tpu.vector_load %arg9[%get3A_81, %get3A_82] {strides = array<i32>} : memref<80x128xf32, #tpu.memory_space<vmem>>, vector<1x16xf32>,
      %get3A_84 = vector.shape_cast %get3A_83 : vector<1x16xf32> to vector<16xf32>
      %sub3A = arith.subf %get3A_80, %get3A_84 : vector<16xf32>
      %swap3A = arith.index_cast %scan3A_76 : i32 to index
      %swap3A_85 = arith.constant 0 : index
      %swap3A_86 = tpu.vector_load %arg11[%swap3A, %swap3A_85] {strides = array<i32>} : memref<80x128xf32, #tpu.memory_space<vmem>>, vector<1x16xf32>,
      %swap3A_87 = vector.shape_cast %swap3A_86 : vector<1x16xf32> to vector<16xf32>
      %swap3A_88 = vector.shape_cast %sub3A : vector<16xf32> to vector<1x16xf32>
      tpu.vector_store %arg11[%swap3A, %swap3A_85], %swap3A_88 {strides = array<i32>} : memref<80x128xf32, #tpu.memory_space<vmem>>, vector<1x16xf32>,
      %get3A_89 = arith.index_cast %scan3A_76 : i32 to index
      %get3A_90 = arith.constant 16 : index
      %get3A_91 = tpu.vector_load %arg7[%get3A_89, %get3A_90] {strides = array<i32>} : memref<80x128xf32, #tpu.memory_space<vmem>>, vector<1x16xf32>,
      %get3A_92 = vector.shape_cast %get3A_91 : vector<1x16xf32> to vector<16xf32>
      %get3A_93 = arith.index_cast %scan3A_76 : i32 to index
      %get3A_94 = arith.constant 16 : index
      %get3A_95 = tpu.vector_load %arg9[%get3A_93, %get3A_94] {strides = array<i32>} : memref<80x128xf32, #tpu.memory_space<vmem>>, vector<1x16xf32>,
      %get3A_96 = vector.shape_cast %get3A_95 : vector<1x16xf32> to vector<16xf32>
      %sub3A_97 = arith.subf %get3A_92, %get3A_96 : vector<16xf32>
      %swap3A_98 = arith.index_cast %scan3A_76 : i32 to index
      %swap3A_99 = arith.constant 16 : index
      %swap3A_100 = tpu.vector_load %arg11[%swap3A_98, %swap3A_99] {strides = array<i32>} : memref<80x128xf32, #tpu.memory_space<vmem>>, vector<1x16xf32>,
      %swap3A_101 = vector.shape_cast %swap3A_100 : vector<1x16xf32> to vector<16xf32>
      %swap3A_102 = vector.shape_cast %sub3A_97 : vector<16xf32> to vector<1x16xf32>
      tpu.vector_store %arg11[%swap3A_98, %swap3A_99], %swap3A_102 {strides = array<i32>} : memref<80x128xf32, #tpu.memory_space<vmem>>, vector<1x16xf32>,
      %get3A_103 = arith.index_cast %scan3A_76 : i32 to index
      %get3A_104 = arith.constant 32 : index
      %get3A_105 = tpu.vector_load %arg7[%get3A_103, %get3A_104] {strides = array<i32>} : memref<80x128xf32, #tpu.memory_space<vmem>>, vector<1x16xf32>,
      %get3A_106 = vector.shape_cast %get3A_105 : vector<1x16xf32> to vector<16xf32>
      %get3A_107 = arith.index_cast %scan3A_76 : i32 to index
      %get3A_108 = arith.constant 32 : index
      %get3A_109 = tpu.vector_load %arg9[%get3A_107, %get3A_108] {strides = array<i32>} : memref<80x128xf32, #tpu.memory_space<vmem>>, vector<1x16xf32>,
      %get3A_110 = vector.shape_cast %get3A_109 : vector<1x16xf32> to vector<16xf32>
      %sub3A_111 = arith.subf %get3A_106, %get3A_110 : vector<16xf32>
      %swap3A_112 = arith.index_cast %scan3A_76 : i32 to index
      %swap3A_113 = arith.constant 32 : index
      %swap3A_114 = tpu.vector_load %arg11[%swap3A_112, %swap3A_113] {strides = array<i32>} : memref<80x128xf32, #tpu.memory_space<vmem>>, vector<1x16xf32>,
      %swap3A_115 = vector.shape_cast %swap3A_114 : vector<1x16xf32> to vector<16xf32>
      %swap3A_116 = vector.shape_cast %sub3A_111 : vector<16xf32> to vector<1x16xf32>
      tpu.vector_store %arg11[%swap3A_112, %swap3A_113], %swap3A_116 {strides = array<i32>} : memref<80x128xf32, #tpu.memory_space<vmem>>, vector<1x16xf32>,
      %get3A_117 = arith.index_cast %scan3A_76 : i32 to index
      %get3A_118 = arith.constant 48 : index
      %get3A_119 = tpu.vector_load %arg7[%get3A_117, %get3A_118] {strides = array<i32>} : memref<80x128xf32, #tpu.memory_space<vmem>>, vector<1x16xf32>,
      %get3A_120 = vector.shape_cast %get3A_119 : vector<1x16xf32> to vector<16xf32>
      %get3A_121 = arith.index_cast %scan3A_76 : i32 to index
      %get3A_122 = arith.constant 48 : index
      %get3A_123 = tpu.vector_load %arg9[%get3A_121, %get3A_122] {strides = array<i32>} : memref<80x128xf32, #tpu.memory_space<vmem>>, vector<1x16xf32>,
      %get3A_124 = vector.shape_cast %get3A_123 : vector<1x16xf32> to vector<16xf32>
      %sub3A_125 = arith.subf %get3A_120, %get3A_124 : vector<16xf32>
      %swap3A_126 = arith.index_cast %scan3A_76 : i32 to index
      %swap3A_127 = arith.constant 48 : index
      %swap3A_128 = tpu.vector_load %arg11[%swap3A_126, %swap3A_127] {strides = array<i32>} : memref<80x128xf32, #tpu.memory_space<vmem>>, vector<1x16xf32>,
      %swap3A_129 = vector.shape_cast %swap3A_128 : vector<1x16xf32> to vector<16xf32>
      %swap3A_130 = vector.shape_cast %sub3A_125 : vector<16xf32> to vector<1x16xf32>
      tpu.vector_store %arg11[%swap3A_126, %swap3A_127], %swap3A_130 {strides = array<i32>} : memref<80x128xf32, #tpu.memory_space<vmem>>, vector<1x16xf32>,
      %get3A_131 = arith.index_cast %scan3A_76 : i32 to index
      %get3A_132 = arith.constant 64 : index
      %get3A_133 = tpu.vector_load %arg7[%get3A_131, %get3A_132] {strides = array<i32>} : memref<80x128xf32, #tpu.memory_space<vmem>>, vector<1x16xf32>,
      %get3A_134 = vector.shape_cast %get3A_133 : vector<1x16xf32> to vector<16xf32>
      %get3A_135 = arith.index_cast %scan3A_76 : i32 to index
      %get3A_136 = arith.constant 64 : index
      %get3A_137 = tpu.vector_load %arg9[%get3A_135, %get3A_136] {strides = array<i32>} : memref<80x128xf32, #tpu.memory_space<vmem>>, vector<1x16xf32>,
      %get3A_138 = vector.shape_cast %get3A_137 : vector<1x16xf32> to vector<16xf32>
      %sub3A_139 = arith.subf %get3A_134, %get3A_138 : vector<16xf32>
      %swap3A_140 = arith.index_cast %scan3A_76 : i32 to index
      %swap3A_141 = arith.constant 64 : index
      %swap3A_142 = tpu.vector_load %arg11[%swap3A_140, %swap3A_141] {strides = array<i32>} : memref<80x128xf32, #tpu.memory_space<vmem>>, vector<1x16xf32>,
      %swap3A_143 = vector.shape_cast %swap3A_142 : vector<1x16xf32> to vector<16xf32>
      %swap3A_144 = vector.shape_cast %sub3A_139 : vector<16xf32> to vector<1x16xf32>
      tpu.vector_store %arg11[%swap3A_140, %swap3A_141], %swap3A_144 {strides = array<i32>} : memref<80x128xf32, #tpu.memory_space<vmem>>, vector<1x16xf32>,
      %get3A_145 = arith.index_cast %scan3A_76 : i32 to index
      %get3A_146 = arith.constant 80 : index
      %get3A_147 = tpu.vector_load %arg7[%get3A_145, %get3A_146] {strides = array<i32>} : memref<80x128xf32, #tpu.memory_space<vmem>>, vector<1x16xf32>,
      %get3A_148 = vector.shape_cast %get3A_147 : vector<1x16xf32> to vector<16xf32>
      %get3A_149 = arith.index_cast %scan3A_76 : i32 to index
      %get3A_150 = arith.constant 80 : index
      %get3A_151 = tpu.vector_load %arg9[%get3A_149, %get3A_150] {strides = array<i32>} : memref<80x128xf32, #tpu.memory_space<vmem>>, vector<1x16xf32>,
      %get3A_152 = vector.shape_cast %get3A_151 : vector<1x16xf32> to vector<16xf32>
      %sub3A_153 = arith.subf %get3A_148, %get3A_152 : vector<16xf32>
      %swap3A_154 = arith.index_cast %scan3A_76 : i32 to index
      %swap3A_155 = arith.constant 80 : index
      %swap3A_156 = tpu.vector_load %arg11[%swap3A_154, %swap3A_155] {strides = array<i32>} : memref<80x128xf32, #tpu.memory_space<vmem>>, vector<1x16xf32>,
      %swap3A_157 = vector.shape_cast %swap3A_156 : vector<1x16xf32> to vector<16xf32>
      %swap3A_158 = vector.shape_cast %sub3A_153 : vector<16xf32> to vector<1x16xf32>
      tpu.vector_store %arg11[%swap3A_154, %swap3A_155], %swap3A_158 {strides = array<i32>} : memref<80x128xf32, #tpu.memory_space<vmem>>, vector<1x16xf32>,
      %get3A_159 = arith.index_cast %scan3A_76 : i32 to index
      %get3A_160 = arith.constant 96 : index
      %get3A_161 = tpu.vector_load %arg7[%get3A_159, %get3A_160] {strides = array<i32>} : memref<80x128xf32, #tpu.memory_space<vmem>>, vector<1x16xf32>,
      %get3A_162 = vector.shape_cast %get3A_161 : vector<1x16xf32> to vector<16xf32>
      %get3A_163 = arith.index_cast %scan3A_76 : i32 to index
      %get3A_164 = arith.constant 96 : index
      %get3A_165 = tpu.vector_load %arg9[%get3A_163, %get3A_164] {strides = array<i32>} : memref<80x128xf32, #tpu.memory_space<vmem>>, vector<1x16xf32>,
      %get3A_166 = vector.shape_cast %get3A_165 : vector<1x16xf32> to vector<16xf32>
      %sub3A_167 = arith.subf %get3A_162, %get3A_166 : vector<16xf32>
      %swap3A_168 = arith.index_cast %scan3A_76 : i32 to index
      %swap3A_169 = arith.constant 96 : index
      %swap3A_170 = tpu.vector_load %arg11[%swap3A_168, %swap3A_169] {strides = array<i32>} : memref<80x128xf32, #tpu.memory_space<vmem>>, vector<1x16xf32>,
      %swap3A_171 = vector.shape_cast %swap3A_170 : vector<1x16xf32> to vector<16xf32>
      %swap3A_172 = vector.shape_cast %sub3A_167 : vector<16xf32> to vector<1x16xf32>
      tpu.vector_store %arg11[%swap3A_168, %swap3A_169], %swap3A_172 {strides = array<i32>} : memref<80x128xf32, #tpu.memory_space<vmem>>, vector<1x16xf32>,
      %get3A_173 = arith.index_cast %scan3A_76 : i32 to index
      %get3A_174 = arith.constant 112 : index
      %get3A_175 = tpu.vector_load %arg7[%get3A_173, %get3A_174] {strides = array<i32>} : memref<80x128xf32, #tpu.memory_space<vmem>>, vector<1x16xf32>,
      %get3A_176 = vector.shape_cast %get3A_175 : vector<1x16xf32> to vector<16xf32>
      %get3A_177 = arith.index_cast %scan3A_76 : i32 to index
      %get3A_178 = arith.constant 112 : index
      %get3A_179 = tpu.vector_load %arg9[%get3A_177, %get3A_178] {strides = array<i32>} : memref<80x128xf32, #tpu.memory_space<vmem>>, vector<1x16xf32>,
      %get3A_180 = vector.shape_cast %get3A_179 : vector<1x16xf32> to vector<16xf32>
      %sub3A_181 = arith.subf %get3A_176, %get3A_180 : vector<16xf32>
      %swap3A_182 = arith.index_cast %scan3A_76 : i32 to index
      %swap3A_183 = arith.constant 112 : index
      %swap3A_184 = tpu.vector_load %arg11[%swap3A_182, %swap3A_183] {strides = array<i32>} : memref<80x128xf32, #tpu.memory_space<vmem>>, vector<1x16xf32>,
      %swap3A_185 = vector.shape_cast %swap3A_184 : vector<1x16xf32> to vector<16xf32>
      %swap3A_186 = vector.shape_cast %sub3A_181 : vector<16xf32> to vector<1x16xf32>
      tpu.vector_store %arg11[%swap3A_182, %swap3A_183], %swap3A_186 {strides = array<i32>} : memref<80x128xf32, #tpu.memory_space<vmem>>, vector<1x16xf32>,
      %scan3A_187 = arith.constant 0 : i32
      scf.yield %scan3A_187 : i32
    }
    %scan3A_57 = arith.constant 80 : i32
    %add3A_58 = arith.constant 9920 : i32
    %add3A_59 = arith.addi %mul3A_2, %add3A_58 : i32
    %dma_start3A_60 = arith.constant 0 : i32
    %dma_start3A_61 = tpu.memref_slice %arg6[%add3A_59, %dma_start3A_60] : memref<320000x128xf32, #tpu.memory_space<hbm>> -> memref<80x128xf32, #tpu.memory_space<hbm>>
    %dma_start3A_62 = arith.constant 0 : i32
    %dma_start3A_63 = tpu.memref_slice %arg6[%add3A_59, %dma_start3A_62] : memref<320000x128xf32, #tpu.memory_space<hbm>> -> memref<80x128xf32, #tpu.memory_space<hbm>>
    tpu.enqueue_dma source(%arg11 : memref<80x128xf32, #tpu.memory_space<vmem>>) target(%dma_start3A_63 : memref<80x128xf32, #tpu.memory_space<hbm>>) target_semaphore(%arg21 : memref<!tpu.dma_semaphore, #tpu.memory_space<semaphore_mem>>)
    %dma_wait3A_64 = arith.constant 0 : i32
    %dma_wait3A_65 = arith.constant 0 : i32
    %dma_wait3A_66 = tpu.memref_slice %arg6[%dma_wait3A_64, %dma_wait3A_65] : memref<320000x128xf32, #tpu.memory_space<hbm>> -> memref<80x128xf32, #tpu.memory_space<hbm>>
    %dma_wait3A_67 = arith.constant 0 : i32
    %dma_wait3A_68 = arith.constant 0 : i32
    %dma_wait3A_69 = tpu.memref_slice %arg6[%dma_wait3A_67, %dma_wait3A_68] : memref<320000x128xf32, #tpu.memory_space<hbm>> -> memref<80x128xf32, #tpu.memory_space<hbm>>
    tpu.wait_dma2 semaphore(%arg22 : memref<!tpu.dma_semaphore, #tpu.memory_space<semaphore_mem>>) src(%arg12 : memref<80x128xf32, #tpu.memory_space<vmem>>) dst(%dma_wait3A_69 : memref<80x128xf32, #tpu.memory_space<hbm>>)
    %dma_wait3A_70 = arith.constant 0 : i32
    %dma_wait3A_71 = arith.constant 0 : i32
    %dma_wait3A_72 = tpu.memref_slice %arg6[%dma_wait3A_70, %dma_wait3A_71] : memref<320000x128xf32, #tpu.memory_space<hbm>> -> memref<80x128xf32, #tpu.memory_space<hbm>>
    %dma_wait3A_73 = arith.constant 0 : i32
    %dma_wait3A_74 = arith.constant 0 : i32
    %dma_wait3A_75 = tpu.memref_slice %arg6[%dma_wait3A_73, %dma_wait3A_74] : memref<320000x128xf32, #tpu.memory_space<hbm>> -> memref<80x128xf32, #tpu.memory_space<hbm>>
    tpu.wait_dma2 semaphore(%arg21 : memref<!tpu.dma_semaphore, #tpu.memory_space<semaphore_mem>>) src(%arg11 : memref<80x128xf32, #tpu.memory_space<vmem>>) dst(%dma_wait3A_75 : memref<80x128xf32, #tpu.memory_space<hbm>>)
    return
  }
}

#map = affine_map<(d0, d1) -> (0, 0)>
#map1 = affine_map<(d0, d1) -> (0)>
module attributes {stable_mosaic.version = 14 : i64} {
  func.func @_scatter_body(%arg0: i32, %arg1: i32, %arg2: memref<320000x128xf32, #tpu.memory_space<hbm>>, %arg3: memref<320000xi32, #tpu.memory_space<hbm>>, %arg4: memref<10240x128xf32, #tpu.memory_space<hbm>>, %arg5: memref<10240x128xf32, #tpu.memory_space<hbm>>, %arg6: memref<10240x128xf32, #tpu.memory_space<vmem_shared>>, %arg7: memref<80x128xf32, #tpu.memory_space<vmem>>, %arg8: memref<80x128xf32, #tpu.memory_space<vmem>>, %arg9: memref<80xi32, #tpu.memory_space<vmem>>, %arg10: memref<80xi32, #tpu.memory_space<vmem>>, %arg11: memref<128x128xf32, #tpu.memory_space<vmem>>, %arg12: memref<!tpu.dma_semaphore, #tpu.memory_space<semaphore_mem>>, %arg13: memref<!tpu.dma_semaphore, #tpu.memory_space<semaphore_mem>>) attributes {dimension_semantics = [#tpu.dimension_semantics<core_parallel>, #tpu.dimension_semantics<subcore_parallel>], iteration_bounds = array<i64: 2, 16>, scalar_prefetch = 0 : i64, scratch_operands = 8 : i64, tpu.core_type = #tpu.core_type<sc_vector_subcore>, window_params = [{transform_indices = #map}, {transform_indices = #map1}, {transform_indices = #map}, {transform_indices = #map}]} {
    %mul3A = arith.constant 16 : i32
    %mul3A_0 = arith.muli %arg0, %mul3A : i32
    %add3A = arith.addi %mul3A_0, %arg1 : i32
    %broadcast_in_dim3A = arith.constant 0.000000e+00 : f32
    %broadcast_in_dim3A_1 = vector.broadcast %broadcast_in_dim3A : f32 to vector<16xf32>
    %scan3A = arith.constant 0 : i32
    %scan3A_2 = arith.constant 0 : i32
    %scan3A_3 = arith.constant 128 : i32
    %scan3A_4 = arith.addi %scan3A_2, %scan3A_3 : i32
    %scan3A_5 = arith.constant 1 : i32
    %scan3A_6 = scf.for %scan3A_121 = %scan3A_2 to %scan3A_4 step %scan3A_5 iter_args(%scan3A_122 = %scan3A) -> (i32)  : i32 {
      %swap3A = arith.index_cast %scan3A_121 : i32 to index
      %swap3A_123 = arith.constant 0 : index
      %swap3A_124 = tpu.vector_load %arg11[%swap3A, %swap3A_123] {strides = array<i32>} : memref<128x128xf32, #tpu.memory_space<vmem>>, vector<1x16xf32>,
      %swap3A_125 = vector.shape_cast %swap3A_124 : vector<1x16xf32> to vector<16xf32>
      %swap3A_126 = vector.shape_cast %broadcast_in_dim3A_1 : vector<16xf32> to vector<1x16xf32>
      tpu.vector_store %arg11[%swap3A, %swap3A_123], %swap3A_126 {strides = array<i32>} : memref<128x128xf32, #tpu.memory_space<vmem>>, vector<1x16xf32>,
      %swap3A_127 = arith.index_cast %scan3A_121 : i32 to index
      %swap3A_128 = arith.constant 16 : index
      %swap3A_129 = tpu.vector_load %arg11[%swap3A_127, %swap3A_128] {strides = array<i32>} : memref<128x128xf32, #tpu.memory_space<vmem>>, vector<1x16xf32>,
      %swap3A_130 = vector.shape_cast %swap3A_129 : vector<1x16xf32> to vector<16xf32>
      %swap3A_131 = vector.shape_cast %broadcast_in_dim3A_1 : vector<16xf32> to vector<1x16xf32>
      tpu.vector_store %arg11[%swap3A_127, %swap3A_128], %swap3A_131 {strides = array<i32>} : memref<128x128xf32, #tpu.memory_space<vmem>>, vector<1x16xf32>,
      %swap3A_132 = arith.index_cast %scan3A_121 : i32 to index
      %swap3A_133 = arith.constant 32 : index
      %swap3A_134 = tpu.vector_load %arg11[%swap3A_132, %swap3A_133] {strides = array<i32>} : memref<128x128xf32, #tpu.memory_space<vmem>>, vector<1x16xf32>,
      %swap3A_135 = vector.shape_cast %swap3A_134 : vector<1x16xf32> to vector<16xf32>
      %swap3A_136 = vector.shape_cast %broadcast_in_dim3A_1 : vector<16xf32> to vector<1x16xf32>
      tpu.vector_store %arg11[%swap3A_132, %swap3A_133], %swap3A_136 {strides = array<i32>} : memref<128x128xf32, #tpu.memory_space<vmem>>, vector<1x16xf32>,
      %swap3A_137 = arith.index_cast %scan3A_121 : i32 to index
      %swap3A_138 = arith.constant 48 : index
      %swap3A_139 = tpu.vector_load %arg11[%swap3A_137, %swap3A_138] {strides = array<i32>} : memref<128x128xf32, #tpu.memory_space<vmem>>, vector<1x16xf32>,
      %swap3A_140 = vector.shape_cast %swap3A_139 : vector<1x16xf32> to vector<16xf32>
      %swap3A_141 = vector.shape_cast %broadcast_in_dim3A_1 : vector<16xf32> to vector<1x16xf32>
      tpu.vector_store %arg11[%swap3A_137, %swap3A_138], %swap3A_141 {strides = array<i32>} : memref<128x128xf32, #tpu.memory_space<vmem>>, vector<1x16xf32>,
      %swap3A_142 = arith.index_cast %scan3A_121 : i32 to index
      %swap3A_143 = arith.constant 64 : index
      %swap3A_144 = tpu.vector_load %arg11[%swap3A_142, %swap3A_143] {strides = array<i32>} : memref<128x128xf32, #tpu.memory_space<vmem>>, vector<1x16xf32>,
      %swap3A_145 = vector.shape_cast %swap3A_144 : vector<1x16xf32> to vector<16xf32>
      %swap3A_146 = vector.shape_cast %broadcast_in_dim3A_1 : vector<16xf32> to vector<1x16xf32>
      tpu.vector_store %arg11[%swap3A_142, %swap3A_143], %swap3A_146 {strides = array<i32>} : memref<128x128xf32, #tpu.memory_space<vmem>>, vector<1x16xf32>,
      %swap3A_147 = arith.index_cast %scan3A_121 : i32 to index
      %swap3A_148 = arith.constant 80 : index
      %swap3A_149 = tpu.vector_load %arg11[%swap3A_147, %swap3A_148] {strides = array<i32>} : memref<128x128xf32, #tpu.memory_space<vmem>>, vector<1x16xf32>,
      %swap3A_150 = vector.shape_cast %swap3A_149 : vector<1x16xf32> to vector<16xf32>
      %swap3A_151 = vector.shape_cast %broadcast_in_dim3A_1 : vector<16xf32> to vector<1x16xf32>
      tpu.vector_store %arg11[%swap3A_147, %swap3A_148], %swap3A_151 {strides = array<i32>} : memref<128x128xf32, #tpu.memory_space<vmem>>, vector<1x16xf32>,
      %swap3A_152 = arith.index_cast %scan3A_121 : i32 to index
      %swap3A_153 = arith.constant 96 : index
      %swap3A_154 = tpu.vector_load %arg11[%swap3A_152, %swap3A_153] {strides = array<i32>} : memref<128x128xf32, #tpu.memory_space<vmem>>, vector<1x16xf32>,
      %swap3A_155 = vector.shape_cast %swap3A_154 : vector<1x16xf32> to vector<16xf32>
      %swap3A_156 = vector.shape_cast %broadcast_in_dim3A_1 : vector<16xf32> to vector<1x16xf32>
      tpu.vector_store %arg11[%swap3A_152, %swap3A_153], %swap3A_156 {strides = array<i32>} : memref<128x128xf32, #tpu.memory_space<vmem>>, vector<1x16xf32>,
      %swap3A_157 = arith.index_cast %scan3A_121 : i32 to index
      %swap3A_158 = arith.constant 112 : index
      %swap3A_159 = tpu.vector_load %arg11[%swap3A_157, %swap3A_158] {strides = array<i32>} : memref<128x128xf32, #tpu.memory_space<vmem>>, vector<1x16xf32>,
      %swap3A_160 = vector.shape_cast %swap3A_159 : vector<1x16xf32> to vector<16xf32>
      %swap3A_161 = vector.shape_cast %broadcast_in_dim3A_1 : vector<16xf32> to vector<1x16xf32>
      tpu.vector_store %arg11[%swap3A_157, %swap3A_158], %swap3A_161 {strides = array<i32>} : memref<128x128xf32, #tpu.memory_space<vmem>>, vector<1x16xf32>,
      %scan3A_162 = arith.constant 0 : i32
      scf.yield %scan3A_162 : i32
    }
    %scan3A_7 = arith.constant 128 : i32
    %mul3A_8 = arith.constant 640 : i32
    %mul3A_9 = arith.muli %arg1, %mul3A_8 : i32
    %add3A_10 = arith.constant 0 : i32
    %add3A_11 = arith.addi %mul3A_9, %add3A_10 : i32
    "tpu.region"() ({
      %run_scoped3A = tpu.sem_alloc : memref<!tpu.dma_semaphore, #tpu.memory_space<semaphore_mem>>
      %dma_start3A_121 = arith.constant 0 : i32
      %dma_start3A_122 = tpu.memref_slice %arg6[%add3A_11, %dma_start3A_121] : memref<10240x128xf32, #tpu.memory_space<vmem_shared>> -> memref<128x128xf32, #tpu.memory_space<vmem_shared>>
      %dma_start3A_123 = arith.constant 0 : i32
      %dma_start3A_124 = tpu.memref_slice %arg6[%add3A_11, %dma_start3A_123] : memref<10240x128xf32, #tpu.memory_space<vmem_shared>> -> memref<128x128xf32, #tpu.memory_space<vmem_shared>>
      tpu.enqueue_dma source(%arg11 : memref<128x128xf32, #tpu.memory_space<vmem>>) target(%dma_start3A_124 : memref<128x128xf32, #tpu.memory_space<vmem_shared>>) target_semaphore(%run_scoped3A : memref<!tpu.dma_semaphore, #tpu.memory_space<semaphore_mem>>)
      %dma_wait3A_125 = arith.constant 0 : i32
      %dma_wait3A_126 = tpu.memref_slice %arg6[%add3A_11, %dma_wait3A_125] : memref<10240x128xf32, #tpu.memory_space<vmem_shared>> -> memref<128x128xf32, #tpu.memory_space<vmem_shared>>
      %dma_wait3A_127 = arith.constant 0 : i32
      %dma_wait3A_128 = tpu.memref_slice %arg6[%add3A_11, %dma_wait3A_127] : memref<10240x128xf32, #tpu.memory_space<vmem_shared>> -> memref<128x128xf32, #tpu.memory_space<vmem_shared>>
      tpu.wait_dma2 semaphore(%run_scoped3A : memref<!tpu.dma_semaphore, #tpu.memory_space<semaphore_mem>>) src(%arg11 : memref<128x128xf32, #tpu.memory_space<vmem>>) dst(%dma_wait3A_128 : memref<128x128xf32, #tpu.memory_space<vmem_shared>>)
      tpu.yield
    }) : () -> ()
    %mul3A_12 = arith.constant 640 : i32
    %mul3A_13 = arith.muli %arg1, %mul3A_12 : i32
    %add3A_14 = arith.constant 128 : i32
    %add3A_15 = arith.addi %mul3A_13, %add3A_14 : i32
    "tpu.region"() ({
      %run_scoped3A = tpu.sem_alloc : memref<!tpu.dma_semaphore, #tpu.memory_space<semaphore_mem>>
      %dma_start3A_121 = arith.constant 0 : i32
      %dma_start3A_122 = tpu.memref_slice %arg6[%add3A_15, %dma_start3A_121] : memref<10240x128xf32, #tpu.memory_space<vmem_shared>> -> memref<128x128xf32, #tpu.memory_space<vmem_shared>>
      %dma_start3A_123 = arith.constant 0 : i32
      %dma_start3A_124 = tpu.memref_slice %arg6[%add3A_15, %dma_start3A_123] : memref<10240x128xf32, #tpu.memory_space<vmem_shared>> -> memref<128x128xf32, #tpu.memory_space<vmem_shared>>
      tpu.enqueue_dma source(%arg11 : memref<128x128xf32, #tpu.memory_space<vmem>>) target(%dma_start3A_124 : memref<128x128xf32, #tpu.memory_space<vmem_shared>>) target_semaphore(%run_scoped3A : memref<!tpu.dma_semaphore, #tpu.memory_space<semaphore_mem>>)
      %dma_wait3A_125 = arith.constant 0 : i32
      %dma_wait3A_126 = tpu.memref_slice %arg6[%add3A_15, %dma_wait3A_125] : memref<10240x128xf32, #tpu.memory_space<vmem_shared>> -> memref<128x128xf32, #tpu.memory_space<vmem_shared>>
      %dma_wait3A_127 = arith.constant 0 : i32
      %dma_wait3A_128 = tpu.memref_slice %arg6[%add3A_15, %dma_wait3A_127] : memref<10240x128xf32, #tpu.memory_space<vmem_shared>> -> memref<128x128xf32, #tpu.memory_space<vmem_shared>>
      tpu.wait_dma2 semaphore(%run_scoped3A : memref<!tpu.dma_semaphore, #tpu.memory_space<semaphore_mem>>) src(%arg11 : memref<128x128xf32, #tpu.memory_space<vmem>>) dst(%dma_wait3A_128 : memref<128x128xf32, #tpu.memory_space<vmem_shared>>)
      tpu.yield
    }) : () -> ()
    %mul3A_16 = arith.constant 640 : i32
    %mul3A_17 = arith.muli %arg1, %mul3A_16 : i32
    %add3A_18 = arith.constant 256 : i32
    %add3A_19 = arith.addi %mul3A_17, %add3A_18 : i32
    "tpu.region"() ({
      %run_scoped3A = tpu.sem_alloc : memref<!tpu.dma_semaphore, #tpu.memory_space<semaphore_mem>>
      %dma_start3A_121 = arith.constant 0 : i32
      %dma_start3A_122 = tpu.memref_slice %arg6[%add3A_19, %dma_start3A_121] : memref<10240x128xf32, #tpu.memory_space<vmem_shared>> -> memref<128x128xf32, #tpu.memory_space<vmem_shared>>
      %dma_start3A_123 = arith.constant 0 : i32
      %dma_start3A_124 = tpu.memref_slice %arg6[%add3A_19, %dma_start3A_123] : memref<10240x128xf32, #tpu.memory_space<vmem_shared>> -> memref<128x128xf32, #tpu.memory_space<vmem_shared>>
      tpu.enqueue_dma source(%arg11 : memref<128x128xf32, #tpu.memory_space<vmem>>) target(%dma_start3A_124 : memref<128x128xf32, #tpu.memory_space<vmem_shared>>) target_semaphore(%run_scoped3A : memref<!tpu.dma_semaphore, #tpu.memory_space<semaphore_mem>>)
      %dma_wait3A_125 = arith.constant 0 : i32
      %dma_wait3A_126 = tpu.memref_slice %arg6[%add3A_19, %dma_wait3A_125] : memref<10240x128xf32, #tpu.memory_space<vmem_shared>> -> memref<128x128xf32, #tpu.memory_space<vmem_shared>>
      %dma_wait3A_127 = arith.constant 0 : i32
      %dma_wait3A_128 = tpu.memref_slice %arg6[%add3A_19, %dma_wait3A_127] : memref<10240x128xf32, #tpu.memory_space<vmem_shared>> -> memref<128x128xf32, #tpu.memory_space<vmem_shared>>
      tpu.wait_dma2 semaphore(%run_scoped3A : memref<!tpu.dma_semaphore, #tpu.memory_space<semaphore_mem>>) src(%arg11 : memref<128x128xf32, #tpu.memory_space<vmem>>) dst(%dma_wait3A_128 : memref<128x128xf32, #tpu.memory_space<vmem_shared>>)
      tpu.yield
    }) : () -> ()
    %mul3A_20 = arith.constant 640 : i32
    %mul3A_21 = arith.muli %arg1, %mul3A_20 : i32
    %add3A_22 = arith.constant 384 : i32
    %add3A_23 = arith.addi %mul3A_21, %add3A_22 : i32
    "tpu.region"() ({
      %run_scoped3A = tpu.sem_alloc : memref<!tpu.dma_semaphore, #tpu.memory_space<semaphore_mem>>
      %dma_start3A_121 = arith.constant 0 : i32
      %dma_start3A_122 = tpu.memref_slice %arg6[%add3A_23, %dma_start3A_121] : memref<10240x128xf32, #tpu.memory_space<vmem_shared>> -> memref<128x128xf32, #tpu.memory_space<vmem_shared>>
      %dma_start3A_123 = arith.constant 0 : i32
      %dma_start3A_124 = tpu.memref_slice %arg6[%add3A_23, %dma_start3A_123] : memref<10240x128xf32, #tpu.memory_space<vmem_shared>> -> memref<128x128xf32, #tpu.memory_space<vmem_shared>>
      tpu.enqueue_dma source(%arg11 : memref<128x128xf32, #tpu.memory_space<vmem>>) target(%dma_start3A_124 : memref<128x128xf32, #tpu.memory_space<vmem_shared>>) target_semaphore(%run_scoped3A : memref<!tpu.dma_semaphore, #tpu.memory_space<semaphore_mem>>)
      %dma_wait3A_125 = arith.constant 0 : i32
      %dma_wait3A_126 = tpu.memref_slice %arg6[%add3A_23, %dma_wait3A_125] : memref<10240x128xf32, #tpu.memory_space<vmem_shared>> -> memref<128x128xf32, #tpu.memory_space<vmem_shared>>
      %dma_wait3A_127 = arith.constant 0 : i32
      %dma_wait3A_128 = tpu.memref_slice %arg6[%add3A_23, %dma_wait3A_127] : memref<10240x128xf32, #tpu.memory_space<vmem_shared>> -> memref<128x128xf32, #tpu.memory_space<vmem_shared>>
      tpu.wait_dma2 semaphore(%run_scoped3A : memref<!tpu.dma_semaphore, #tpu.memory_space<semaphore_mem>>) src(%arg11 : memref<128x128xf32, #tpu.memory_space<vmem>>) dst(%dma_wait3A_128 : memref<128x128xf32, #tpu.memory_space<vmem_shared>>)
      tpu.yield
    }) : () -> ()
    %mul3A_24 = arith.constant 640 : i32
    %mul3A_25 = arith.muli %arg1, %mul3A_24 : i32
    %add3A_26 = arith.constant 512 : i32
    %add3A_27 = arith.addi %mul3A_25, %add3A_26 : i32
    "tpu.region"() ({
      %run_scoped3A = tpu.sem_alloc : memref<!tpu.dma_semaphore, #tpu.memory_space<semaphore_mem>>
      %dma_start3A_121 = arith.constant 0 : i32
      %dma_start3A_122 = tpu.memref_slice %arg6[%add3A_27, %dma_start3A_121] : memref<10240x128xf32, #tpu.memory_space<vmem_shared>> -> memref<128x128xf32, #tpu.memory_space<vmem_shared>>
      %dma_start3A_123 = arith.constant 0 : i32
      %dma_start3A_124 = tpu.memref_slice %arg6[%add3A_27, %dma_start3A_123] : memref<10240x128xf32, #tpu.memory_space<vmem_shared>> -> memref<128x128xf32, #tpu.memory_space<vmem_shared>>
      tpu.enqueue_dma source(%arg11 : memref<128x128xf32, #tpu.memory_space<vmem>>) target(%dma_start3A_124 : memref<128x128xf32, #tpu.memory_space<vmem_shared>>) target_semaphore(%run_scoped3A : memref<!tpu.dma_semaphore, #tpu.memory_space<semaphore_mem>>)
      %dma_wait3A_125 = arith.constant 0 : i32
      %dma_wait3A_126 = tpu.memref_slice %arg6[%add3A_27, %dma_wait3A_125] : memref<10240x128xf32, #tpu.memory_space<vmem_shared>> -> memref<128x128xf32, #tpu.memory_space<vmem_shared>>
      %dma_wait3A_127 = arith.constant 0 : i32
      %dma_wait3A_128 = tpu.memref_slice %arg6[%add3A_27, %dma_wait3A_127] : memref<10240x128xf32, #tpu.memory_space<vmem_shared>> -> memref<128x128xf32, #tpu.memory_space<vmem_shared>>
      tpu.wait_dma2 semaphore(%run_scoped3A : memref<!tpu.dma_semaphore, #tpu.memory_space<semaphore_mem>>) src(%arg11 : memref<128x128xf32, #tpu.memory_space<vmem>>) dst(%dma_wait3A_128 : memref<128x128xf32, #tpu.memory_space<vmem_shared>>)
      tpu.yield
    }) : () -> ()
    %barrier3A = arith.constant 0 : index
    tpu.barrier barrier_id(%barrier3A)
    %mul3A_28 = arith.constant 10000 : i32
    %mul3A_29 = arith.muli %add3A, %mul3A_28 : i32
    %add3A_30 = arith.constant 0 : i32
    %add3A_31 = arith.addi %mul3A_29, %add3A_30 : i32
    %dma_start3A = tpu.memref_slice %arg3[%add3A_31] : memref<320000xi32, #tpu.memory_space<hbm>> -> memref<80xi32, #tpu.memory_space<hbm>>
    %dma_start3A_32 = tpu.memref_slice %arg3[%add3A_31] : memref<320000xi32, #tpu.memory_space<hbm>> -> memref<80xi32, #tpu.memory_space<hbm>>
    tpu.enqueue_dma source(%dma_start3A_32 : memref<80xi32, #tpu.memory_space<hbm>>) target(%arg9 : memref<80xi32, #tpu.memory_space<vmem>>) target_semaphore(%arg12 : memref<!tpu.dma_semaphore, #tpu.memory_space<semaphore_mem>>)
    %dma_start3A_33 = arith.constant 0 : i32
    %dma_start3A_34 = tpu.memref_slice %arg2[%add3A_31, %dma_start3A_33] : memref<320000x128xf32, #tpu.memory_space<hbm>> -> memref<80x128xf32, #tpu.memory_space<hbm>>
    %dma_start3A_35 = arith.constant 0 : i32
    %dma_start3A_36 = tpu.memref_slice %arg2[%add3A_31, %dma_start3A_35] : memref<320000x128xf32, #tpu.memory_space<hbm>> -> memref<80x128xf32, #tpu.memory_space<hbm>>
    tpu.enqueue_dma source(%dma_start3A_36 : memref<80x128xf32, #tpu.memory_space<hbm>>) target(%arg7 : memref<80x128xf32, #tpu.memory_space<vmem>>) target_semaphore(%arg12 : memref<!tpu.dma_semaphore, #tpu.memory_space<semaphore_mem>>)
    %scan3A_37 = arith.constant 0 : i32
    %scan3A_38 = arith.constant 0 : i32
    %scan3A_39 = arith.constant 62 : i32
    %scan3A_40 = arith.addi %scan3A_38, %scan3A_39 : i32
    %scan3A_41 = arith.constant 1 : i32
    %scan3A_42 = scf.for %scan3A_121 = %scan3A_38 to %scan3A_40 step %scan3A_41 iter_args(%scan3A_122 = %scan3A_37) -> (i32)  : i32 {
      %mul3A_123 = arith.constant 2 : i32
      %mul3A_124 = arith.muli %mul3A_123, %scan3A_121 : i32
      %add3A_125 = arith.constant 0 : i32
      %add3A_126 = arith.addi %mul3A_124, %add3A_125 : i32
      %add3A_127 = arith.constant 1 : i32
      %add3A_128 = arith.addi %add3A_126, %add3A_127 : i32
      %mul3A_129 = arith.constant 10000 : i32
      %mul3A_130 = arith.muli %add3A, %mul3A_129 : i32
      %mul3A_131 = arith.constant 80 : i32
      %mul3A_132 = arith.muli %add3A_128, %mul3A_131 : i32
      %add3A_133 = arith.addi %mul3A_130, %mul3A_132 : i32
      %dma_start3A_134 = tpu.memref_slice %arg3[%add3A_133] : memref<320000xi32, #tpu.memory_space<hbm>> -> memref<80xi32, #tpu.memory_space<hbm>>
      %dma_start3A_135 = tpu.memref_slice %arg3[%add3A_133] : memref<320000xi32, #tpu.memory_space<hbm>> -> memref<80xi32, #tpu.memory_space<hbm>>
      tpu.enqueue_dma source(%dma_start3A_135 : memref<80xi32, #tpu.memory_space<hbm>>) target(%arg10 : memref<80xi32, #tpu.memory_space<vmem>>) target_semaphore(%arg13 : memref<!tpu.dma_semaphore, #tpu.memory_space<semaphore_mem>>)
      %dma_start3A_136 = arith.constant 0 : i32
      %dma_start3A_137 = tpu.memref_slice %arg2[%add3A_133, %dma_start3A_136] : memref<320000x128xf32, #tpu.memory_space<hbm>> -> memref<80x128xf32, #tpu.memory_space<hbm>>
      %dma_start3A_138 = arith.constant 0 : i32
      %dma_start3A_139 = tpu.memref_slice %arg2[%add3A_133, %dma_start3A_138] : memref<320000x128xf32, #tpu.memory_space<hbm>> -> memref<80x128xf32, #tpu.memory_space<hbm>>
      tpu.enqueue_dma source(%dma_start3A_139 : memref<80x128xf32, #tpu.memory_space<hbm>>) target(%arg8 : memref<80x128xf32, #tpu.memory_space<vmem>>) target_semaphore(%arg13 : memref<!tpu.dma_semaphore, #tpu.memory_space<semaphore_mem>>)
      %dma_wait3A_140 = arith.constant 0 : i32
      %dma_wait3A_141 = tpu.memref_slice %arg3[%dma_wait3A_140] : memref<320000xi32, #tpu.memory_space<hbm>> -> memref<80xi32, #tpu.memory_space<hbm>>
      %dma_wait3A_142 = arith.constant 0 : i32
      %dma_wait3A_143 = tpu.memref_slice %arg3[%dma_wait3A_142] : memref<320000xi32, #tpu.memory_space<hbm>> -> memref<80xi32, #tpu.memory_space<hbm>>
      tpu.wait_dma2 semaphore(%arg12 : memref<!tpu.dma_semaphore, #tpu.memory_space<semaphore_mem>>) src(%dma_wait3A_143 : memref<80xi32, #tpu.memory_space<hbm>>) dst(%arg9 : memref<80xi32, #tpu.memory_space<vmem>>)
      %dma_wait3A_144 = arith.constant 0 : i32
      %dma_wait3A_145 = arith.constant 0 : i32
      %dma_wait3A_146 = tpu.memref_slice %arg2[%dma_wait3A_144, %dma_wait3A_145] : memref<320000x128xf32, #tpu.memory_space<hbm>> -> memref<80x128xf32, #tpu.memory_space<hbm>>
      %dma_wait3A_147 = arith.constant 0 : i32
      %dma_wait3A_148 = arith.constant 0 : i32
      %dma_wait3A_149 = tpu.memref_slice %arg2[%dma_wait3A_147, %dma_wait3A_148] : memref<320000x128xf32, #tpu.memory_space<hbm>> -> memref<80x128xf32, #tpu.memory_space<hbm>>
      tpu.wait_dma2 semaphore(%arg12 : memref<!tpu.dma_semaphore, #tpu.memory_space<semaphore_mem>>) src(%dma_wait3A_149 : memref<80x128xf32, #tpu.memory_space<hbm>>) dst(%arg7 : memref<80x128xf32, #tpu.memory_space<vmem>>)
      "tpu.region"() ({
        %run_scoped3A = tpu.sem_alloc : memref<!tpu.dma_semaphore, #tpu.memory_space<semaphore_mem>>
        %dma_start3A_176 = arith.constant 0 : i32
        %dma_start3A_177 = arith.constant 0 : i32
        %dma_start3A_178 = tpu.memref_slice %arg6[%dma_start3A_176, %dma_start3A_177] : memref<10240x128xf32, #tpu.memory_space<vmem_shared>> -> memref<10240x128xf32, #tpu.memory_space<vmem_shared>>
        tpu.enqueue_indirect_dma source(%arg7 : memref<80x128xf32, #tpu.memory_space<vmem>>) target(%dma_start3A_178 : memref<10240x128xf32, #tpu.memory_space<vmem_shared>>) offsets(%arg9 : memref<80xi32, #tpu.memory_space<vmem>>) semaphore(%run_scoped3A : memref<!tpu.dma_semaphore, #tpu.memory_space<semaphore_mem>>) {add = true}
        %dma_wait3A_179 = arith.constant 0 : i32
        %dma_wait3A_180 = arith.constant 0 : i32
        %dma_wait3A_181 = tpu.memref_slice %arg6[%dma_wait3A_179, %dma_wait3A_180] : memref<10240x128xf32, #tpu.memory_space<vmem_shared>> -> memref<10240x128xf32, #tpu.memory_space<vmem_shared>>
        tpu.wait_indirect_dma semaphore(%run_scoped3A : memref<!tpu.dma_semaphore, #tpu.memory_space<semaphore_mem>>) src(%arg7 : memref<80x128xf32, #tpu.memory_space<vmem>>) dst(%dma_wait3A_181 : memref<10240x128xf32, #tpu.memory_space<vmem_shared>>)
        tpu.yield
      }) : () -> ()
      %add3A_150 = arith.constant 1 : i32
      %add3A_151 = arith.addi %mul3A_124, %add3A_150 : i32
      %add3A_152 = arith.constant 1 : i32
      %add3A_153 = arith.addi %add3A_151, %add3A_152 : i32
      %mul3A_154 = arith.constant 10000 : i32
      %mul3A_155 = arith.muli %add3A, %mul3A_154 : i32
      %mul3A_156 = arith.constant 80 : i32
      %mul3A_157 = arith.muli %add3A_153, %mul3A_156 : i32
      %add3A_158 = arith.addi %mul3A_155, %mul3A_157 : i32
      %dma_start3A_159 = tpu.memref_slice %arg3[%add3A_158] : memref<320000xi32, #tpu.memory_space<hbm>> -> memref<80xi32, #tpu.memory_space<hbm>>
      %dma_start3A_160 = tpu.memref_slice %arg3[%add3A_158] : memref<320000xi32, #tpu.memory_space<hbm>> -> memref<80xi32, #tpu.memory_space<hbm>>
      tpu.enqueue_dma source(%dma_start3A_160 : memref<80xi32, #tpu.memory_space<hbm>>) target(%arg9 : memref<80xi32, #tpu.memory_space<vmem>>) target_semaphore(%arg12 : memref<!tpu.dma_semaphore, #tpu.memory_space<semaphore_mem>>)
      %dma_start3A_161 = arith.constant 0 : i32
      %dma_start3A_162 = tpu.memref_slice %arg2[%add3A_158, %dma_start3A_161] : memref<320000x128xf32, #tpu.memory_space<hbm>> -> memref<80x128xf32, #tpu.memory_space<hbm>>
      %dma_start3A_163 = arith.constant 0 : i32
      %dma_start3A_164 = tpu.memref_slice %arg2[%add3A_158, %dma_start3A_163] : memref<320000x128xf32, #tpu.memory_space<hbm>> -> memref<80x128xf32, #tpu.memory_space<hbm>>
      tpu.enqueue_dma source(%dma_start3A_164 : memref<80x128xf32, #tpu.memory_space<hbm>>) target(%arg7 : memref<80x128xf32, #tpu.memory_space<vmem>>) target_semaphore(%arg12 : memref<!tpu.dma_semaphore, #tpu.memory_space<semaphore_mem>>)
      %dma_wait3A_165 = arith.constant 0 : i32
      %dma_wait3A_166 = tpu.memref_slice %arg3[%dma_wait3A_165] : memref<320000xi32, #tpu.memory_space<hbm>> -> memref<80xi32, #tpu.memory_space<hbm>>
      %dma_wait3A_167 = arith.constant 0 : i32
      %dma_wait3A_168 = tpu.memref_slice %arg3[%dma_wait3A_167] : memref<320000xi32, #tpu.memory_space<hbm>> -> memref<80xi32, #tpu.memory_space<hbm>>
      tpu.wait_dma2 semaphore(%arg13 : memref<!tpu.dma_semaphore, #tpu.memory_space<semaphore_mem>>) src(%dma_wait3A_168 : memref<80xi32, #tpu.memory_space<hbm>>) dst(%arg10 : memref<80xi32, #tpu.memory_space<vmem>>)
      %dma_wait3A_169 = arith.constant 0 : i32
      %dma_wait3A_170 = arith.constant 0 : i32
      %dma_wait3A_171 = tpu.memref_slice %arg2[%dma_wait3A_169, %dma_wait3A_170] : memref<320000x128xf32, #tpu.memory_space<hbm>> -> memref<80x128xf32, #tpu.memory_space<hbm>>
      %dma_wait3A_172 = arith.constant 0 : i32
      %dma_wait3A_173 = arith.constant 0 : i32
      %dma_wait3A_174 = tpu.memref_slice %arg2[%dma_wait3A_172, %dma_wait3A_173] : memref<320000x128xf32, #tpu.memory_space<hbm>> -> memref<80x128xf32, #tpu.memory_space<hbm>>
      tpu.wait_dma2 semaphore(%arg13 : memref<!tpu.dma_semaphore, #tpu.memory_space<semaphore_mem>>) src(%dma_wait3A_174 : memref<80x128xf32, #tpu.memory_space<hbm>>) dst(%arg8 : memref<80x128xf32, #tpu.memory_space<vmem>>)
      "tpu.region"() ({
        %run_scoped3A = tpu.sem_alloc : memref<!tpu.dma_semaphore, #tpu.memory_space<semaphore_mem>>
        %dma_start3A_176 = arith.constant 0 : i32
        %dma_start3A_177 = arith.constant 0 : i32
        %dma_start3A_178 = tpu.memref_slice %arg6[%dma_start3A_176, %dma_start3A_177] : memref<10240x128xf32, #tpu.memory_space<vmem_shared>> -> memref<10240x128xf32, #tpu.memory_space<vmem_shared>>
        tpu.enqueue_indirect_dma source(%arg8 : memref<80x128xf32, #tpu.memory_space<vmem>>) target(%dma_start3A_178 : memref<10240x128xf32, #tpu.memory_space<vmem_shared>>) offsets(%arg10 : memref<80xi32, #tpu.memory_space<vmem>>) semaphore(%run_scoped3A : memref<!tpu.dma_semaphore, #tpu.memory_space<semaphore_mem>>) {add = true}
        %dma_wait3A_179 = arith.constant 0 : i32
        %dma_wait3A_180 = arith.constant 0 : i32
        %dma_wait3A_181 = tpu.memref_slice %arg6[%dma_wait3A_179, %dma_wait3A_180] : memref<10240x128xf32, #tpu.memory_space<vmem_shared>> -> memref<10240x128xf32, #tpu.memory_space<vmem_shared>>
        tpu.wait_indirect_dma semaphore(%run_scoped3A : memref<!tpu.dma_semaphore, #tpu.memory_space<semaphore_mem>>) src(%arg8 : memref<80x128xf32, #tpu.memory_space<vmem>>) dst(%dma_wait3A_181 : memref<10240x128xf32, #tpu.memory_space<vmem_shared>>)
        tpu.yield
      }) : () -> ()
      %scan3A_175 = arith.constant 0 : i32
      scf.yield %scan3A_175 : i32
    }
    %scan3A_43 = arith.constant 62 : i32
    %dma_wait3A = arith.constant 0 : i32
    %dma_wait3A_44 = tpu.memref_slice %arg3[%dma_wait3A] : memref<320000xi32, #tpu.memory_space<hbm>> -> memref<80xi32, #tpu.memory_space<hbm>>
    %dma_wait3A_45 = arith.constant 0 : i32
    %dma_wait3A_46 = tpu.memref_slice %arg3[%dma_wait3A_45] : memref<320000xi32, #tpu.memory_space<hbm>> -> memref<80xi32, #tpu.memory_space<hbm>>
    tpu.wait_dma2 semaphore(%arg12 : memref<!tpu.dma_semaphore, #tpu.memory_space<semaphore_mem>>) src(%dma_wait3A_46 : memref<80xi32, #tpu.memory_space<hbm>>) dst(%arg9 : memref<80xi32, #tpu.memory_space<vmem>>)
    %dma_wait3A_47 = arith.constant 0 : i32
    %dma_wait3A_48 = arith.constant 0 : i32
    %dma_wait3A_49 = tpu.memref_slice %arg2[%dma_wait3A_47, %dma_wait3A_48] : memref<320000x128xf32, #tpu.memory_space<hbm>> -> memref<80x128xf32, #tpu.memory_space<hbm>>
    %dma_wait3A_50 = arith.constant 0 : i32
    %dma_wait3A_51 = arith.constant 0 : i32
    %dma_wait3A_52 = tpu.memref_slice %arg2[%dma_wait3A_50, %dma_wait3A_51] : memref<320000x128xf32, #tpu.memory_space<hbm>> -> memref<80x128xf32, #tpu.memory_space<hbm>>
    tpu.wait_dma2 semaphore(%arg12 : memref<!tpu.dma_semaphore, #tpu.memory_space<semaphore_mem>>) src(%dma_wait3A_52 : memref<80x128xf32, #tpu.memory_space<hbm>>) dst(%arg7 : memref<80x128xf32, #tpu.memory_space<vmem>>)
    "tpu.region"() ({
      %run_scoped3A = tpu.sem_alloc : memref<!tpu.dma_semaphore, #tpu.memory_space<semaphore_mem>>
      %dma_start3A_121 = arith.constant 0 : i32
      %dma_start3A_122 = arith.constant 0 : i32
      %dma_start3A_123 = tpu.memref_slice %arg6[%dma_start3A_121, %dma_start3A_122] : memref<10240x128xf32, #tpu.memory_space<vmem_shared>> -> memref<10240x128xf32, #tpu.memory_space<vmem_shared>>
      tpu.enqueue_indirect_dma source(%arg7 : memref<80x128xf32, #tpu.memory_space<vmem>>) target(%dma_start3A_123 : memref<10240x128xf32, #tpu.memory_space<vmem_shared>>) offsets(%arg9 : memref<80xi32, #tpu.memory_space<vmem>>) semaphore(%run_scoped3A : memref<!tpu.dma_semaphore, #tpu.memory_space<semaphore_mem>>) {add = true}
      %dma_wait3A_124 = arith.constant 0 : i32
      %dma_wait3A_125 = arith.constant 0 : i32
      %dma_wait3A_126 = tpu.memref_slice %arg6[%dma_wait3A_124, %dma_wait3A_125] : memref<10240x128xf32, #tpu.memory_space<vmem_shared>> -> memref<10240x128xf32, #tpu.memory_space<vmem_shared>>
      tpu.wait_indirect_dma semaphore(%run_scoped3A : memref<!tpu.dma_semaphore, #tpu.memory_space<semaphore_mem>>) src(%arg7 : memref<80x128xf32, #tpu.memory_space<vmem>>) dst(%dma_wait3A_126 : memref<10240x128xf32, #tpu.memory_space<vmem_shared>>)
      tpu.yield
    }) : () -> ()
    %barrier3A_53 = arith.constant 0 : index
    tpu.barrier barrier_id(%barrier3A_53)
    %mul3A_54 = arith.constant 640 : i32
    %mul3A_55 = arith.muli %arg1, %mul3A_54 : i32
    %add3A_56 = arith.constant 0 : i32
    %add3A_57 = arith.addi %mul3A_55, %add3A_56 : i32
    "tpu.region"() ({
      %run_scoped3A = tpu.sem_alloc : memref<!tpu.dma_semaphore, #tpu.memory_space<semaphore_mem>>
      %dma_start3A_121 = arith.constant 0 : i32
      %dma_start3A_122 = tpu.memref_slice %arg6[%add3A_57, %dma_start3A_121] : memref<10240x128xf32, #tpu.memory_space<vmem_shared>> -> memref<128x128xf32, #tpu.memory_space<vmem_shared>>
      %dma_start3A_123 = arith.constant 0 : i32
      %dma_start3A_124 = tpu.memref_slice %arg6[%add3A_57, %dma_start3A_123] : memref<10240x128xf32, #tpu.memory_space<vmem_shared>> -> memref<128x128xf32, #tpu.memory_space<vmem_shared>>
      tpu.enqueue_dma source(%dma_start3A_124 : memref<128x128xf32, #tpu.memory_space<vmem_shared>>) target(%arg11 : memref<128x128xf32, #tpu.memory_space<vmem>>) target_semaphore(%run_scoped3A : memref<!tpu.dma_semaphore, #tpu.memory_space<semaphore_mem>>)
      %dma_wait3A_125 = arith.constant 0 : i32
      %dma_wait3A_126 = tpu.memref_slice %arg6[%add3A_57, %dma_wait3A_125] : memref<10240x128xf32, #tpu.memory_space<vmem_shared>> -> memref<128x128xf32, #tpu.memory_space<vmem_shared>>
      %dma_wait3A_127 = arith.constant 0 : i32
      %dma_wait3A_128 = tpu.memref_slice %arg6[%add3A_57, %dma_wait3A_127] : memref<10240x128xf32, #tpu.memory_space<vmem_shared>> -> memref<128x128xf32, #tpu.memory_space<vmem_shared>>
      tpu.wait_dma2 semaphore(%run_scoped3A : memref<!tpu.dma_semaphore, #tpu.memory_space<semaphore_mem>>) src(%dma_wait3A_128 : memref<128x128xf32, #tpu.memory_space<vmem_shared>>) dst(%arg11 : memref<128x128xf32, #tpu.memory_space<vmem>>)
      tpu.yield
    }) : () -> ()
    %eq3A = arith.constant 0 : i32
    %eq3A_58 = arith.cmpi eq, %arg0, %eq3A : i32
    %convert_element_type3A = arith.extui %eq3A_58 : i1 to i32
    %cond3A = arith.constant 0 : i32
    %cond3A_59 = arith.cmpi ne, %convert_element_type3A, %cond3A : i32
    scf.if %cond3A_59 {
      "tpu.region"() ({
        %run_scoped3A = tpu.sem_alloc : memref<!tpu.dma_semaphore, #tpu.memory_space<semaphore_mem>>
        %dma_start3A_121 = arith.constant 0 : i32
        %dma_start3A_122 = tpu.memref_slice %arg4[%add3A_57, %dma_start3A_121] : memref<10240x128xf32, #tpu.memory_space<hbm>> -> memref<128x128xf32, #tpu.memory_space<hbm>>
        %dma_start3A_123 = arith.constant 0 : i32
        %dma_start3A_124 = tpu.memref_slice %arg4[%add3A_57, %dma_start3A_123] : memref<10240x128xf32, #tpu.memory_space<hbm>> -> memref<128x128xf32, #tpu.memory_space<hbm>>
        tpu.enqueue_dma source(%arg11 : memref<128x128xf32, #tpu.memory_space<vmem>>) target(%dma_start3A_124 : memref<128x128xf32, #tpu.memory_space<hbm>>) target_semaphore(%run_scoped3A : memref<!tpu.dma_semaphore, #tpu.memory_space<semaphore_mem>>)
        %dma_wait3A_125 = arith.constant 0 : i32
        %dma_wait3A_126 = tpu.memref_slice %arg4[%add3A_57, %dma_wait3A_125] : memref<10240x128xf32, #tpu.memory_space<hbm>> -> memref<128x128xf32, #tpu.memory_space<hbm>>
        %dma_wait3A_127 = arith.constant 0 : i32
        %dma_wait3A_128 = tpu.memref_slice %arg4[%add3A_57, %dma_wait3A_127] : memref<10240x128xf32, #tpu.memory_space<hbm>> -> memref<128x128xf32, #tpu.memory_space<hbm>>
        tpu.wait_dma2 semaphore(%run_scoped3A : memref<!tpu.dma_semaphore, #tpu.memory_space<semaphore_mem>>) src(%arg11 : memref<128x128xf32, #tpu.memory_space<vmem>>) dst(%dma_wait3A_128 : memref<128x128xf32, #tpu.memory_space<hbm>>)
        tpu.yield
      }) : () -> ()
    } else {
    }
    %eq3A_60 = arith.constant 1 : i32
    %eq3A_61 = arith.cmpi eq, %arg0, %eq3A_60 : i32
    %convert_element_type3A_62 = arith.extui %eq3A_61 : i1 to i32
    %cond3A_63 = arith.constant 0 : i32
    %cond3A_64 = arith.cmpi ne, %convert_element_type3A_62, %cond3A_63 : i32
    scf.if %cond3A_64 {
      "tpu.region"() ({
        %run_scoped3A = tpu.sem_alloc : memref<!tpu.dma_semaphore, #tpu.memory_space<semaphore_mem>>
        %dma_start3A_121 = arith.constant 0 : i32
        %dma_start3A_122 = tpu.memref_slice %arg5[%add3A_57, %dma_start3A_121] : memref<10240x128xf32, #tpu.memory_space<hbm>> -> memref<128x128xf32, #tpu.memory_space<hbm>>
        %dma_start3A_123 = arith.constant 0 : i32
        %dma_start3A_124 = tpu.memref_slice %arg5[%add3A_57, %dma_start3A_123] : memref<10240x128xf32, #tpu.memory_space<hbm>> -> memref<128x128xf32, #tpu.memory_space<hbm>>
        tpu.enqueue_dma source(%arg11 : memref<128x128xf32, #tpu.memory_space<vmem>>) target(%dma_start3A_124 : memref<128x128xf32, #tpu.memory_space<hbm>>) target_semaphore(%run_scoped3A : memref<!tpu.dma_semaphore, #tpu.memory_space<semaphore_mem>>)
        %dma_wait3A_125 = arith.constant 0 : i32
        %dma_wait3A_126 = tpu.memref_slice %arg5[%add3A_57, %dma_wait3A_125] : memref<10240x128xf32, #tpu.memory_space<hbm>> -> memref<128x128xf32, #tpu.memory_space<hbm>>
        %dma_wait3A_127 = arith.constant 0 : i32
        %dma_wait3A_128 = tpu.memref_slice %arg5[%add3A_57, %dma_wait3A_127] : memref<10240x128xf32, #tpu.memory_space<hbm>> -> memref<128x128xf32, #tpu.memory_space<hbm>>
        tpu.wait_dma2 semaphore(%run_scoped3A : memref<!tpu.dma_semaphore, #tpu.memory_space<semaphore_mem>>) src(%arg11 : memref<128x128xf32, #tpu.memory_space<vmem>>) dst(%dma_wait3A_128 : memref<128x128xf32, #tpu.memory_space<hbm>>)
        tpu.yield
      }) : () -> ()
    } else {
    }
    %mul3A_65 = arith.constant 640 : i32
    %mul3A_66 = arith.muli %arg1, %mul3A_65 : i32
    %add3A_67 = arith.constant 128 : i32
    %add3A_68 = arith.addi %mul3A_66, %add3A_67 : i32
    "tpu.region"() ({
      %run_scoped3A = tpu.sem_alloc : memref<!tpu.dma_semaphore, #tpu.memory_space<semaphore_mem>>
      %dma_start3A_121 = arith.constant 0 : i32
      %dma_start3A_122 = tpu.memref_slice %arg6[%add3A_68, %dma_start3A_121] : memref<10240x128xf32, #tpu.memory_space<vmem_shared>> -> memref<128x128xf32, #tpu.memory_space<vmem_shared>>
      %dma_start3A_123 = arith.constant 0 : i32
      %dma_start3A_124 = tpu.memref_slice %arg6[%add3A_68, %dma_start3A_123] : memref<10240x128xf32, #tpu.memory_space<vmem_shared>> -> memref<128x128xf32, #tpu.memory_space<vmem_shared>>
      tpu.enqueue_dma source(%dma_start3A_124 : memref<128x128xf32, #tpu.memory_space<vmem_shared>>) target(%arg11 : memref<128x128xf32, #tpu.memory_space<vmem>>) target_semaphore(%run_scoped3A : memref<!tpu.dma_semaphore, #tpu.memory_space<semaphore_mem>>)
      %dma_wait3A_125 = arith.constant 0 : i32
      %dma_wait3A_126 = tpu.memref_slice %arg6[%add3A_68, %dma_wait3A_125] : memref<10240x128xf32, #tpu.memory_space<vmem_shared>> -> memref<128x128xf32, #tpu.memory_space<vmem_shared>>
      %dma_wait3A_127 = arith.constant 0 : i32
      %dma_wait3A_128 = tpu.memref_slice %arg6[%add3A_68, %dma_wait3A_127] : memref<10240x128xf32, #tpu.memory_space<vmem_shared>> -> memref<128x128xf32, #tpu.memory_space<vmem_shared>>
      tpu.wait_dma2 semaphore(%run_scoped3A : memref<!tpu.dma_semaphore, #tpu.memory_space<semaphore_mem>>) src(%dma_wait3A_128 : memref<128x128xf32, #tpu.memory_space<vmem_shared>>) dst(%arg11 : memref<128x128xf32, #tpu.memory_space<vmem>>)
      tpu.yield
    }) : () -> ()
    %eq3A_69 = arith.constant 0 : i32
    %eq3A_70 = arith.cmpi eq, %arg0, %eq3A_69 : i32
    %convert_element_type3A_71 = arith.extui %eq3A_70 : i1 to i32
    %cond3A_72 = arith.constant 0 : i32
    %cond3A_73 = arith.cmpi ne, %convert_element_type3A_71, %cond3A_72 : i32
    scf.if %cond3A_73 {
      "tpu.region"() ({
        %run_scoped3A = tpu.sem_alloc : memref<!tpu.dma_semaphore, #tpu.memory_space<semaphore_mem>>
        %dma_start3A_121 = arith.constant 0 : i32
        %dma_start3A_122 = tpu.memref_slice %arg4[%add3A_68, %dma_start3A_121] : memref<10240x128xf32, #tpu.memory_space<hbm>> -> memref<128x128xf32, #tpu.memory_space<hbm>>
        %dma_start3A_123 = arith.constant 0 : i32
        %dma_start3A_124 = tpu.memref_slice %arg4[%add3A_68, %dma_start3A_123] : memref<10240x128xf32, #tpu.memory_space<hbm>> -> memref<128x128xf32, #tpu.memory_space<hbm>>
        tpu.enqueue_dma source(%arg11 : memref<128x128xf32, #tpu.memory_space<vmem>>) target(%dma_start3A_124 : memref<128x128xf32, #tpu.memory_space<hbm>>) target_semaphore(%run_scoped3A : memref<!tpu.dma_semaphore, #tpu.memory_space<semaphore_mem>>)
        %dma_wait3A_125 = arith.constant 0 : i32
        %dma_wait3A_126 = tpu.memref_slice %arg4[%add3A_68, %dma_wait3A_125] : memref<10240x128xf32, #tpu.memory_space<hbm>> -> memref<128x128xf32, #tpu.memory_space<hbm>>
        %dma_wait3A_127 = arith.constant 0 : i32
        %dma_wait3A_128 = tpu.memref_slice %arg4[%add3A_68, %dma_wait3A_127] : memref<10240x128xf32, #tpu.memory_space<hbm>> -> memref<128x128xf32, #tpu.memory_space<hbm>>
        tpu.wait_dma2 semaphore(%run_scoped3A : memref<!tpu.dma_semaphore, #tpu.memory_space<semaphore_mem>>) src(%arg11 : memref<128x128xf32, #tpu.memory_space<vmem>>) dst(%dma_wait3A_128 : memref<128x128xf32, #tpu.memory_space<hbm>>)
        tpu.yield
      }) : () -> ()
    } else {
    }
    %eq3A_74 = arith.constant 1 : i32
    %eq3A_75 = arith.cmpi eq, %arg0, %eq3A_74 : i32
    %convert_element_type3A_76 = arith.extui %eq3A_75 : i1 to i32
    %cond3A_77 = arith.constant 0 : i32
    %cond3A_78 = arith.cmpi ne, %convert_element_type3A_76, %cond3A_77 : i32
    scf.if %cond3A_78 {
      "tpu.region"() ({
        %run_scoped3A = tpu.sem_alloc : memref<!tpu.dma_semaphore, #tpu.memory_space<semaphore_mem>>
        %dma_start3A_121 = arith.constant 0 : i32
        %dma_start3A_122 = tpu.memref_slice %arg5[%add3A_68, %dma_start3A_121] : memref<10240x128xf32, #tpu.memory_space<hbm>> -> memref<128x128xf32, #tpu.memory_space<hbm>>
        %dma_start3A_123 = arith.constant 0 : i32
        %dma_start3A_124 = tpu.memref_slice %arg5[%add3A_68, %dma_start3A_123] : memref<10240x128xf32, #tpu.memory_space<hbm>> -> memref<128x128xf32, #tpu.memory_space<hbm>>
        tpu.enqueue_dma source(%arg11 : memref<128x128xf32, #tpu.memory_space<vmem>>) target(%dma_start3A_124 : memref<128x128xf32, #tpu.memory_space<hbm>>) target_semaphore(%run_scoped3A : memref<!tpu.dma_semaphore, #tpu.memory_space<semaphore_mem>>)
        %dma_wait3A_125 = arith.constant 0 : i32
        %dma_wait3A_126 = tpu.memref_slice %arg5[%add3A_68, %dma_wait3A_125] : memref<10240x128xf32, #tpu.memory_space<hbm>> -> memref<128x128xf32, #tpu.memory_space<hbm>>
        %dma_wait3A_127 = arith.constant 0 : i32
        %dma_wait3A_128 = tpu.memref_slice %arg5[%add3A_68, %dma_wait3A_127] : memref<10240x128xf32, #tpu.memory_space<hbm>> -> memref<128x128xf32, #tpu.memory_space<hbm>>
        tpu.wait_dma2 semaphore(%run_scoped3A : memref<!tpu.dma_semaphore, #tpu.memory_space<semaphore_mem>>) src(%arg11 : memref<128x128xf32, #tpu.memory_space<vmem>>) dst(%dma_wait3A_128 : memref<128x128xf32, #tpu.memory_space<hbm>>)
        tpu.yield
      }) : () -> ()
    } else {
    }
    %mul3A_79 = arith.constant 640 : i32
    %mul3A_80 = arith.muli %arg1, %mul3A_79 : i32
    %add3A_81 = arith.constant 256 : i32
    %add3A_82 = arith.addi %mul3A_80, %add3A_81 : i32
    "tpu.region"() ({
      %run_scoped3A = tpu.sem_alloc : memref<!tpu.dma_semaphore, #tpu.memory_space<semaphore_mem>>
      %dma_start3A_121 = arith.constant 0 : i32
      %dma_start3A_122 = tpu.memref_slice %arg6[%add3A_82, %dma_start3A_121] : memref<10240x128xf32, #tpu.memory_space<vmem_shared>> -> memref<128x128xf32, #tpu.memory_space<vmem_shared>>
      %dma_start3A_123 = arith.constant 0 : i32
      %dma_start3A_124 = tpu.memref_slice %arg6[%add3A_82, %dma_start3A_123] : memref<10240x128xf32, #tpu.memory_space<vmem_shared>> -> memref<128x128xf32, #tpu.memory_space<vmem_shared>>
      tpu.enqueue_dma source(%dma_start3A_124 : memref<128x128xf32, #tpu.memory_space<vmem_shared>>) target(%arg11 : memref<128x128xf32, #tpu.memory_space<vmem>>) target_semaphore(%run_scoped3A : memref<!tpu.dma_semaphore, #tpu.memory_space<semaphore_mem>>)
      %dma_wait3A_125 = arith.constant 0 : i32
      %dma_wait3A_126 = tpu.memref_slice %arg6[%add3A_82, %dma_wait3A_125] : memref<10240x128xf32, #tpu.memory_space<vmem_shared>> -> memref<128x128xf32, #tpu.memory_space<vmem_shared>>
      %dma_wait3A_127 = arith.constant 0 : i32
      %dma_wait3A_128 = tpu.memref_slice %arg6[%add3A_82, %dma_wait3A_127] : memref<10240x128xf32, #tpu.memory_space<vmem_shared>> -> memref<128x128xf32, #tpu.memory_space<vmem_shared>>
      tpu.wait_dma2 semaphore(%run_scoped3A : memref<!tpu.dma_semaphore, #tpu.memory_space<semaphore_mem>>) src(%dma_wait3A_128 : memref<128x128xf32, #tpu.memory_space<vmem_shared>>) dst(%arg11 : memref<128x128xf32, #tpu.memory_space<vmem>>)
      tpu.yield
    }) : () -> ()
    %eq3A_83 = arith.constant 0 : i32
    %eq3A_84 = arith.cmpi eq, %arg0, %eq3A_83 : i32
    %convert_element_type3A_85 = arith.extui %eq3A_84 : i1 to i32
    %cond3A_86 = arith.constant 0 : i32
    %cond3A_87 = arith.cmpi ne, %convert_element_type3A_85, %cond3A_86 : i32
    scf.if %cond3A_87 {
      "tpu.region"() ({
        %run_scoped3A = tpu.sem_alloc : memref<!tpu.dma_semaphore, #tpu.memory_space<semaphore_mem>>
        %dma_start3A_121 = arith.constant 0 : i32
        %dma_start3A_122 = tpu.memref_slice %arg4[%add3A_82, %dma_start3A_121] : memref<10240x128xf32, #tpu.memory_space<hbm>> -> memref<128x128xf32, #tpu.memory_space<hbm>>
        %dma_start3A_123 = arith.constant 0 : i32
        %dma_start3A_124 = tpu.memref_slice %arg4[%add3A_82, %dma_start3A_123] : memref<10240x128xf32, #tpu.memory_space<hbm>> -> memref<128x128xf32, #tpu.memory_space<hbm>>
        tpu.enqueue_dma source(%arg11 : memref<128x128xf32, #tpu.memory_space<vmem>>) target(%dma_start3A_124 : memref<128x128xf32, #tpu.memory_space<hbm>>) target_semaphore(%run_scoped3A : memref<!tpu.dma_semaphore, #tpu.memory_space<semaphore_mem>>)
        %dma_wait3A_125 = arith.constant 0 : i32
        %dma_wait3A_126 = tpu.memref_slice %arg4[%add3A_82, %dma_wait3A_125] : memref<10240x128xf32, #tpu.memory_space<hbm>> -> memref<128x128xf32, #tpu.memory_space<hbm>>
        %dma_wait3A_127 = arith.constant 0 : i32
        %dma_wait3A_128 = tpu.memref_slice %arg4[%add3A_82, %dma_wait3A_127] : memref<10240x128xf32, #tpu.memory_space<hbm>> -> memref<128x128xf32, #tpu.memory_space<hbm>>
        tpu.wait_dma2 semaphore(%run_scoped3A : memref<!tpu.dma_semaphore, #tpu.memory_space<semaphore_mem>>) src(%arg11 : memref<128x128xf32, #tpu.memory_space<vmem>>) dst(%dma_wait3A_128 : memref<128x128xf32, #tpu.memory_space<hbm>>)
        tpu.yield
      }) : () -> ()
    } else {
    }
    %eq3A_88 = arith.constant 1 : i32
    %eq3A_89 = arith.cmpi eq, %arg0, %eq3A_88 : i32
    %convert_element_type3A_90 = arith.extui %eq3A_89 : i1 to i32
    %cond3A_91 = arith.constant 0 : i32
    %cond3A_92 = arith.cmpi ne, %convert_element_type3A_90, %cond3A_91 : i32
    scf.if %cond3A_92 {
      "tpu.region"() ({
        %run_scoped3A = tpu.sem_alloc : memref<!tpu.dma_semaphore, #tpu.memory_space<semaphore_mem>>
        %dma_start3A_121 = arith.constant 0 : i32
        %dma_start3A_122 = tpu.memref_slice %arg5[%add3A_82, %dma_start3A_121] : memref<10240x128xf32, #tpu.memory_space<hbm>> -> memref<128x128xf32, #tpu.memory_space<hbm>>
        %dma_start3A_123 = arith.constant 0 : i32
        %dma_start3A_124 = tpu.memref_slice %arg5[%add3A_82, %dma_start3A_123] : memref<10240x128xf32, #tpu.memory_space<hbm>> -> memref<128x128xf32, #tpu.memory_space<hbm>>
        tpu.enqueue_dma source(%arg11 : memref<128x128xf32, #tpu.memory_space<vmem>>) target(%dma_start3A_124 : memref<128x128xf32, #tpu.memory_space<hbm>>) target_semaphore(%run_scoped3A : memref<!tpu.dma_semaphore, #tpu.memory_space<semaphore_mem>>)
        %dma_wait3A_125 = arith.constant 0 : i32
        %dma_wait3A_126 = tpu.memref_slice %arg5[%add3A_82, %dma_wait3A_125] : memref<10240x128xf32, #tpu.memory_space<hbm>> -> memref<128x128xf32, #tpu.memory_space<hbm>>
        %dma_wait3A_127 = arith.constant 0 : i32
        %dma_wait3A_128 = tpu.memref_slice %arg5[%add3A_82, %dma_wait3A_127] : memref<10240x128xf32, #tpu.memory_space<hbm>> -> memref<128x128xf32, #tpu.memory_space<hbm>>
        tpu.wait_dma2 semaphore(%run_scoped3A : memref<!tpu.dma_semaphore, #tpu.memory_space<semaphore_mem>>) src(%arg11 : memref<128x128xf32, #tpu.memory_space<vmem>>) dst(%dma_wait3A_128 : memref<128x128xf32, #tpu.memory_space<hbm>>)
        tpu.yield
      }) : () -> ()
    } else {
    }
    %mul3A_93 = arith.constant 640 : i32
    %mul3A_94 = arith.muli %arg1, %mul3A_93 : i32
    %add3A_95 = arith.constant 384 : i32
    %add3A_96 = arith.addi %mul3A_94, %add3A_95 : i32
    "tpu.region"() ({
      %run_scoped3A = tpu.sem_alloc : memref<!tpu.dma_semaphore, #tpu.memory_space<semaphore_mem>>
      %dma_start3A_121 = arith.constant 0 : i32
      %dma_start3A_122 = tpu.memref_slice %arg6[%add3A_96, %dma_start3A_121] : memref<10240x128xf32, #tpu.memory_space<vmem_shared>> -> memref<128x128xf32, #tpu.memory_space<vmem_shared>>
      %dma_start3A_123 = arith.constant 0 : i32
      %dma_start3A_124 = tpu.memref_slice %arg6[%add3A_96, %dma_start3A_123] : memref<10240x128xf32, #tpu.memory_space<vmem_shared>> -> memref<128x128xf32, #tpu.memory_space<vmem_shared>>
      tpu.enqueue_dma source(%dma_start3A_124 : memref<128x128xf32, #tpu.memory_space<vmem_shared>>) target(%arg11 : memref<128x128xf32, #tpu.memory_space<vmem>>) target_semaphore(%run_scoped3A : memref<!tpu.dma_semaphore, #tpu.memory_space<semaphore_mem>>)
      %dma_wait3A_125 = arith.constant 0 : i32
      %dma_wait3A_126 = tpu.memref_slice %arg6[%add3A_96, %dma_wait3A_125] : memref<10240x128xf32, #tpu.memory_space<vmem_shared>> -> memref<128x128xf32, #tpu.memory_space<vmem_shared>>
      %dma_wait3A_127 = arith.constant 0 : i32
      %dma_wait3A_128 = tpu.memref_slice %arg6[%add3A_96, %dma_wait3A_127] : memref<10240x128xf32, #tpu.memory_space<vmem_shared>> -> memref<128x128xf32, #tpu.memory_space<vmem_shared>>
      tpu.wait_dma2 semaphore(%run_scoped3A : memref<!tpu.dma_semaphore, #tpu.memory_space<semaphore_mem>>) src(%dma_wait3A_128 : memref<128x128xf32, #tpu.memory_space<vmem_shared>>) dst(%arg11 : memref<128x128xf32, #tpu.memory_space<vmem>>)
      tpu.yield
    }) : () -> ()
    %eq3A_97 = arith.constant 0 : i32
    %eq3A_98 = arith.cmpi eq, %arg0, %eq3A_97 : i32
    %convert_element_type3A_99 = arith.extui %eq3A_98 : i1 to i32
    %cond3A_100 = arith.constant 0 : i32
    %cond3A_101 = arith.cmpi ne, %convert_element_type3A_99, %cond3A_100 : i32
    scf.if %cond3A_101 {
      "tpu.region"() ({
        %run_scoped3A = tpu.sem_alloc : memref<!tpu.dma_semaphore, #tpu.memory_space<semaphore_mem>>
        %dma_start3A_121 = arith.constant 0 : i32
        %dma_start3A_122 = tpu.memref_slice %arg4[%add3A_96, %dma_start3A_121] : memref<10240x128xf32, #tpu.memory_space<hbm>> -> memref<128x128xf32, #tpu.memory_space<hbm>>
        %dma_start3A_123 = arith.constant 0 : i32
        %dma_start3A_124 = tpu.memref_slice %arg4[%add3A_96, %dma_start3A_123] : memref<10240x128xf32, #tpu.memory_space<hbm>> -> memref<128x128xf32, #tpu.memory_space<hbm>>
        tpu.enqueue_dma source(%arg11 : memref<128x128xf32, #tpu.memory_space<vmem>>) target(%dma_start3A_124 : memref<128x128xf32, #tpu.memory_space<hbm>>) target_semaphore(%run_scoped3A : memref<!tpu.dma_semaphore, #tpu.memory_space<semaphore_mem>>)
        %dma_wait3A_125 = arith.constant 0 : i32
        %dma_wait3A_126 = tpu.memref_slice %arg4[%add3A_96, %dma_wait3A_125] : memref<10240x128xf32, #tpu.memory_space<hbm>> -> memref<128x128xf32, #tpu.memory_space<hbm>>
        %dma_wait3A_127 = arith.constant 0 : i32
        %dma_wait3A_128 = tpu.memref_slice %arg4[%add3A_96, %dma_wait3A_127] : memref<10240x128xf32, #tpu.memory_space<hbm>> -> memref<128x128xf32, #tpu.memory_space<hbm>>
        tpu.wait_dma2 semaphore(%run_scoped3A : memref<!tpu.dma_semaphore, #tpu.memory_space<semaphore_mem>>) src(%arg11 : memref<128x128xf32, #tpu.memory_space<vmem>>) dst(%dma_wait3A_128 : memref<128x128xf32, #tpu.memory_space<hbm>>)
        tpu.yield
      }) : () -> ()
    } else {
    }
    %eq3A_102 = arith.constant 1 : i32
    %eq3A_103 = arith.cmpi eq, %arg0, %eq3A_102 : i32
    %convert_element_type3A_104 = arith.extui %eq3A_103 : i1 to i32
    %cond3A_105 = arith.constant 0 : i32
    %cond3A_106 = arith.cmpi ne, %convert_element_type3A_104, %cond3A_105 : i32
    scf.if %cond3A_106 {
      "tpu.region"() ({
        %run_scoped3A = tpu.sem_alloc : memref<!tpu.dma_semaphore, #tpu.memory_space<semaphore_mem>>
        %dma_start3A_121 = arith.constant 0 : i32
        %dma_start3A_122 = tpu.memref_slice %arg5[%add3A_96, %dma_start3A_121] : memref<10240x128xf32, #tpu.memory_space<hbm>> -> memref<128x128xf32, #tpu.memory_space<hbm>>
        %dma_start3A_123 = arith.constant 0 : i32
        %dma_start3A_124 = tpu.memref_slice %arg5[%add3A_96, %dma_start3A_123] : memref<10240x128xf32, #tpu.memory_space<hbm>> -> memref<128x128xf32, #tpu.memory_space<hbm>>
        tpu.enqueue_dma source(%arg11 : memref<128x128xf32, #tpu.memory_space<vmem>>) target(%dma_start3A_124 : memref<128x128xf32, #tpu.memory_space<hbm>>) target_semaphore(%run_scoped3A : memref<!tpu.dma_semaphore, #tpu.memory_space<semaphore_mem>>)
        %dma_wait3A_125 = arith.constant 0 : i32
        %dma_wait3A_126 = tpu.memref_slice %arg5[%add3A_96, %dma_wait3A_125] : memref<10240x128xf32, #tpu.memory_space<hbm>> -> memref<128x128xf32, #tpu.memory_space<hbm>>
        %dma_wait3A_127 = arith.constant 0 : i32
        %dma_wait3A_128 = tpu.memref_slice %arg5[%add3A_96, %dma_wait3A_127] : memref<10240x128xf32, #tpu.memory_space<hbm>> -> memref<128x128xf32, #tpu.memory_space<hbm>>
        tpu.wait_dma2 semaphore(%run_scoped3A : memref<!tpu.dma_semaphore, #tpu.memory_space<semaphore_mem>>) src(%arg11 : memref<128x128xf32, #tpu.memory_space<vmem>>) dst(%dma_wait3A_128 : memref<128x128xf32, #tpu.memory_space<hbm>>)
        tpu.yield
      }) : () -> ()
    } else {
    }
    %mul3A_107 = arith.constant 640 : i32
    %mul3A_108 = arith.muli %arg1, %mul3A_107 : i32
    %add3A_109 = arith.constant 512 : i32
    %add3A_110 = arith.addi %mul3A_108, %add3A_109 : i32
    "tpu.region"() ({
      %run_scoped3A = tpu.sem_alloc : memref<!tpu.dma_semaphore, #tpu.memory_space<semaphore_mem>>
      %dma_start3A_121 = arith.constant 0 : i32
      %dma_start3A_122 = tpu.memref_slice %arg6[%add3A_110, %dma_start3A_121] : memref<10240x128xf32, #tpu.memory_space<vmem_shared>> -> memref<128x128xf32, #tpu.memory_space<vmem_shared>>
      %dma_start3A_123 = arith.constant 0 : i32
      %dma_start3A_124 = tpu.memref_slice %arg6[%add3A_110, %dma_start3A_123] : memref<10240x128xf32, #tpu.memory_space<vmem_shared>> -> memref<128x128xf32, #tpu.memory_space<vmem_shared>>
      tpu.enqueue_dma source(%dma_start3A_124 : memref<128x128xf32, #tpu.memory_space<vmem_shared>>) target(%arg11 : memref<128x128xf32, #tpu.memory_space<vmem>>) target_semaphore(%run_scoped3A : memref<!tpu.dma_semaphore, #tpu.memory_space<semaphore_mem>>)
      %dma_wait3A_125 = arith.constant 0 : i32
      %dma_wait3A_126 = tpu.memref_slice %arg6[%add3A_110, %dma_wait3A_125] : memref<10240x128xf32, #tpu.memory_space<vmem_shared>> -> memref<128x128xf32, #tpu.memory_space<vmem_shared>>
      %dma_wait3A_127 = arith.constant 0 : i32
      %dma_wait3A_128 = tpu.memref_slice %arg6[%add3A_110, %dma_wait3A_127] : memref<10240x128xf32, #tpu.memory_space<vmem_shared>> -> memref<128x128xf32, #tpu.memory_space<vmem_shared>>
      tpu.wait_dma2 semaphore(%run_scoped3A : memref<!tpu.dma_semaphore, #tpu.memory_space<semaphore_mem>>) src(%dma_wait3A_128 : memref<128x128xf32, #tpu.memory_space<vmem_shared>>) dst(%arg11 : memref<128x128xf32, #tpu.memory_space<vmem>>)
      tpu.yield
    }) : () -> ()
    %eq3A_111 = arith.constant 0 : i32
    %eq3A_112 = arith.cmpi eq, %arg0, %eq3A_111 : i32
    %convert_element_type3A_113 = arith.extui %eq3A_112 : i1 to i32
    %cond3A_114 = arith.constant 0 : i32
    %cond3A_115 = arith.cmpi ne, %convert_element_type3A_113, %cond3A_114 : i32
    scf.if %cond3A_115 {
      "tpu.region"() ({
        %run_scoped3A = tpu.sem_alloc : memref<!tpu.dma_semaphore, #tpu.memory_space<semaphore_mem>>
        %dma_start3A_121 = arith.constant 0 : i32
        %dma_start3A_122 = tpu.memref_slice %arg4[%add3A_110, %dma_start3A_121] : memref<10240x128xf32, #tpu.memory_space<hbm>> -> memref<128x128xf32, #tpu.memory_space<hbm>>
        %dma_start3A_123 = arith.constant 0 : i32
        %dma_start3A_124 = tpu.memref_slice %arg4[%add3A_110, %dma_start3A_123] : memref<10240x128xf32, #tpu.memory_space<hbm>> -> memref<128x128xf32, #tpu.memory_space<hbm>>
        tpu.enqueue_dma source(%arg11 : memref<128x128xf32, #tpu.memory_space<vmem>>) target(%dma_start3A_124 : memref<128x128xf32, #tpu.memory_space<hbm>>) target_semaphore(%run_scoped3A : memref<!tpu.dma_semaphore, #tpu.memory_space<semaphore_mem>>)
        %dma_wait3A_125 = arith.constant 0 : i32
        %dma_wait3A_126 = tpu.memref_slice %arg4[%add3A_110, %dma_wait3A_125] : memref<10240x128xf32, #tpu.memory_space<hbm>> -> memref<128x128xf32, #tpu.memory_space<hbm>>
        %dma_wait3A_127 = arith.constant 0 : i32
        %dma_wait3A_128 = tpu.memref_slice %arg4[%add3A_110, %dma_wait3A_127] : memref<10240x128xf32, #tpu.memory_space<hbm>> -> memref<128x128xf32, #tpu.memory_space<hbm>>
        tpu.wait_dma2 semaphore(%run_scoped3A : memref<!tpu.dma_semaphore, #tpu.memory_space<semaphore_mem>>) src(%arg11 : memref<128x128xf32, #tpu.memory_space<vmem>>) dst(%dma_wait3A_128 : memref<128x128xf32, #tpu.memory_space<hbm>>)
        tpu.yield
      }) : () -> ()
    } else {
    }
    %eq3A_116 = arith.constant 1 : i32
    %eq3A_117 = arith.cmpi eq, %arg0, %eq3A_116 : i32
    %convert_element_type3A_118 = arith.extui %eq3A_117 : i1 to i32
    %cond3A_119 = arith.constant 0 : i32
    %cond3A_120 = arith.cmpi ne, %convert_element_type3A_118, %cond3A_119 : i32
    scf.if %cond3A_120 {
      "tpu.region"() ({
        %run_scoped3A = tpu.sem_alloc : memref<!tpu.dma_semaphore, #tpu.memory_space<semaphore_mem>>
        %dma_start3A_121 = arith.constant 0 : i32
        %dma_start3A_122 = tpu.memref_slice %arg5[%add3A_110, %dma_start3A_121] : memref<10240x128xf32, #tpu.memory_space<hbm>> -> memref<128x128xf32, #tpu.memory_space<hbm>>
        %dma_start3A_123 = arith.constant 0 : i32
        %dma_start3A_124 = tpu.memref_slice %arg5[%add3A_110, %dma_start3A_123] : memref<10240x128xf32, #tpu.memory_space<hbm>> -> memref<128x128xf32, #tpu.memory_space<hbm>>
        tpu.enqueue_dma source(%arg11 : memref<128x128xf32, #tpu.memory_space<vmem>>) target(%dma_start3A_124 : memref<128x128xf32, #tpu.memory_space<hbm>>) target_semaphore(%run_scoped3A : memref<!tpu.dma_semaphore, #tpu.memory_space<semaphore_mem>>)
        %dma_wait3A_125 = arith.constant 0 : i32
        %dma_wait3A_126 = tpu.memref_slice %arg5[%add3A_110, %dma_wait3A_125] : memref<10240x128xf32, #tpu.memory_space<hbm>> -> memref<128x128xf32, #tpu.memory_space<hbm>>
        %dma_wait3A_127 = arith.constant 0 : i32
        %dma_wait3A_128 = tpu.memref_slice %arg5[%add3A_110, %dma_wait3A_127] : memref<10240x128xf32, #tpu.memory_space<hbm>> -> memref<128x128xf32, #tpu.memory_space<hbm>>
        tpu.wait_dma2 semaphore(%run_scoped3A : memref<!tpu.dma_semaphore, #tpu.memory_space<semaphore_mem>>) src(%arg11 : memref<128x128xf32, #tpu.memory_space<vmem>>) dst(%dma_wait3A_128 : memref<128x128xf32, #tpu.memory_space<hbm>>)
        tpu.yield
      }) : () -> ()
    } else {
    }
    return
  }
}

module attributes {stable_mosaic.version = 14 : i64} {
  func.func @_combine_body(%arg0: i32, %arg1: memref<1000x128xf32, #tpu.memory_space<vmem>>, %arg2: memref<1000x128xf32, #tpu.memory_space<vmem>>, %arg3: memref<1000x128xf32, #tpu.memory_space<vmem>>, %arg4: memref<1000x128xf32, #tpu.memory_space<vmem>>) attributes {dimension_semantics = [#tpu.dimension_semantics<arbitrary>], iteration_bounds = array<i64: 10>, scalar_prefetch = 0 : i64, scratch_operands = 0 : i64, tpu.core_type = #tpu.core_type<tc>, window_params = [{transform_indices = @transform_0, window_bounds = array<i64: 1000, 128>}, {transform_indices = @transform_1, window_bounds = array<i64: 1000, 128>}, {transform_indices = @transform_2, window_bounds = array<i64: 1000, 128>}, {transform_indices = @transform_3, window_bounds = array<i64: 1000, 128>}]} {
    %get3A = arith.constant 0 : index
    %get3A_0 = arith.constant 0 : index
    %get3A_1 = vector.load %arg1[%get3A, %get3A_0] : memref<1000x128xf32, #tpu.memory_space<vmem>>, vector<1000x128xf32>
    %get3A_2 = arith.constant 0 : index
    %get3A_3 = arith.constant 0 : index
    %get3A_4 = vector.load %arg2[%get3A_2, %get3A_3] : memref<1000x128xf32, #tpu.memory_space<vmem>>, vector<1000x128xf32>
    %add3A = arith.addf %get3A_1, %get3A_4 : vector<1000x128xf32>
    %get3A_5 = arith.constant 0 : index
    %get3A_6 = arith.constant 0 : index
    %get3A_7 = vector.load %arg3[%get3A_5, %get3A_6] : memref<1000x128xf32, #tpu.memory_space<vmem>>, vector<1000x128xf32>
    %add3A_8 = arith.addf %add3A, %get3A_7 : vector<1000x128xf32>
    %swap3A = arith.constant 0 : index
    %swap3A_9 = arith.constant 0 : index
    %swap3A_10 = vector.load %arg4[%swap3A, %swap3A_9] : memref<1000x128xf32, #tpu.memory_space<vmem>>, vector<1000x128xf32>
    tpu.vector_store %arg4[%swap3A, %swap3A_9], %add3A_8 {strides = array<i32>} : memref<1000x128xf32, #tpu.memory_space<vmem>>, vector<1000x128xf32>,
    return
  }
  func.func @transform_0(%arg0: i32) -> (i32, i32) {
    %c0_i32 = arith.constant 0 : i32
    %c0_i32_0 = arith.constant 0 : i32
    return %arg0, %c0_i32 : i32, i32
  }
  func.func @transform_1(%arg0: i32) -> (i32, i32) {
    %c0_i32 = arith.constant 0 : i32
    %c0_i32_0 = arith.constant 0 : i32
    return %arg0, %c0_i32 : i32, i32
  }
  func.func @transform_2(%arg0: i32) -> (i32, i32) {
    %c0_i32 = arith.constant 0 : i32
    %c0_i32_0 = arith.constant 0 : i32
    return %arg0, %c0_i32 : i32, i32
  }
  func.func @transform_3(%arg0: i32) -> (i32, i32) {
    %c0_i32 = arith.constant 0 : i32
    %c0_i32_0 = arith.constant 0 : i32
    return %arg0, %c0_i32 : i32, i32
  }
}

module attributes {stable_mosaic.version = 14 : i64} {
  func.func @_softmax_body(%arg0: i32, %arg1: memref<1280x128xf32, #tpu.memory_space<vmem>>, %arg2: memref<1280x128xf32, #tpu.memory_space<vmem>>) attributes {dimension_semantics = [#tpu.dimension_semantics<arbitrary>], iteration_bounds = array<i64: 250>, scalar_prefetch = 0 : i64, scratch_operands = 0 : i64, tpu.core_type = #tpu.core_type<tc>, window_params = [{transform_indices = @transform_0, window_bounds = array<i64: 1280, 128>}, {transform_indices = @transform_1, window_bounds = array<i64: 1280, 128>}]} {
    %get3A = arith.constant 0 : index
    %get3A_0 = arith.constant 0 : index
    %get3A_1 = vector.load %arg1[%get3A, %get3A_0] : memref<1280x128xf32, #tpu.memory_space<vmem>>, vector<1280x128xf32>
    %reduce_max3A = arith.constant dense<0xFF800000> : vector<1280xf32>
    %reduce_max3A_2 = vector.multi_reduction <maximumf>, %get3A_1, %reduce_max3A [1] : vector<1280x128xf32> to vector<1280xf32>
    %broadcast_in_dim3A = vector.shape_cast %reduce_max3A_2 : vector<1280xf32> to vector<1280x1xf32>
    %sub3A = vector.broadcast %broadcast_in_dim3A : vector<1280x1xf32> to vector<1280x128xf32>
    %sub3A_3 = arith.subf %get3A_1, %sub3A : vector<1280x128xf32>
    %exp3A = math.exp %sub3A_3 : vector<1280x128xf32>
    %reduce_sum3A = arith.constant dense<0.000000e+00> : vector<1280xf32>
    %reduce_sum3A_4 = vector.multi_reduction <add>, %exp3A, %reduce_sum3A [1] : vector<1280x128xf32> to vector<1280xf32>
    %broadcast_in_dim3A_5 = vector.shape_cast %reduce_sum3A_4 : vector<1280xf32> to vector<1280x1xf32>
    %div3A = arith.constant 1.000000e+00 : f32
    %div3A_6 = vector.broadcast %div3A : f32 to vector<1280x1xf32>
    %div3A_7 = arith.divf %div3A_6, %broadcast_in_dim3A_5 : vector<1280x1xf32>
    %mul3A = vector.broadcast %div3A_7 : vector<1280x1xf32> to vector<1280x128xf32>
    %mul3A_8 = arith.mulf %exp3A, %mul3A : vector<1280x128xf32>
    %swap3A = arith.constant 0 : index
    %swap3A_9 = arith.constant 0 : index
    %swap3A_10 = vector.load %arg2[%swap3A, %swap3A_9] : memref<1280x128xf32, #tpu.memory_space<vmem>>, vector<1280x128xf32>
    tpu.vector_store %arg2[%swap3A, %swap3A_9], %mul3A_8 {strides = array<i32>} : memref<1280x128xf32, #tpu.memory_space<vmem>>, vector<1280x128xf32>,
    return
  }
  func.func @transform_0(%arg0: i32) -> (i32, i32) {
    %c0_i32 = arith.constant 0 : i32
    %c0_i32_0 = arith.constant 0 : i32
    return %arg0, %c0_i32 : i32, i32
  }
  func.func @transform_1(%arg0: i32) -> (i32, i32) {
    %c0_i32 = arith.constant 0 : i32
    %c0_i32_0 = arith.constant 0 : i32
    return %arg0, %c0_i32 : i32, i32
  }
}

module attributes {stable_mosaic.version = 14 : i64} {
  func.func @_mmlog_body(%arg0: i32, %arg1: memref<1280x128xf32, #tpu.memory_space<vmem>>, %arg2: memref<128x128xf32, #tpu.memory_space<vmem>>, %arg3: memref<1280x128xf32, #tpu.memory_space<vmem>>) attributes {dimension_semantics = [#tpu.dimension_semantics<arbitrary>], iteration_bounds = array<i64: 250>, scalar_prefetch = 0 : i64, scratch_operands = 0 : i64, tpu.core_type = #tpu.core_type<tc>, window_params = [{transform_indices = @transform_0, window_bounds = array<i64: 1280, 128>}, {pipeline_mode = #tpu.pipeline_mode<synchronous>, transform_indices = @transform_1, window_bounds = array<i64: 128, 128>}, {transform_indices = @transform_2, window_bounds = array<i64: 1280, 128>}]} {
    %get3A = arith.constant 0 : index
    %get3A_0 = arith.constant 0 : index
    %get3A_1 = vector.load %arg1[%get3A, %get3A_0] : memref<1280x128xf32, #tpu.memory_space<vmem>>, vector<1280x128xf32>
    %get3A_2 = arith.constant 0 : index
    %get3A_3 = arith.constant 0 : index
    %get3A_4 = vector.load %arg2[%get3A_2, %get3A_3] : memref<128x128xf32, #tpu.memory_space<vmem>>, vector<128x128xf32>
    %dot_general3A = arith.constant dense<0.000000e+00> : vector<1280x128xf32>
    %dot_general3A_5 = tpu.matmul %get3A_1, %get3A_4, %dot_general3A {dimension_numbers = #tpu.dot_dimension_numbers<[1], [0], [0], [1], [0, 0, 1, 1], [], []>, transpose_lhs_hint = false} : vector<1280x128xf32>, vector<128x128xf32>, vector<1280x128xf32> -> vector<1280x128xf32>
    %add3A = arith.constant 1.000000e-10 : f32
    %add3A_6 = vector.broadcast %add3A : f32 to vector<1280x128xf32>
    %add3A_7 = arith.addf %dot_general3A_5, %add3A_6 : vector<1280x128xf32>
    %log3A = math.log %add3A_7 : vector<1280x128xf32>
    %swap3A = arith.constant 0 : index
    %swap3A_8 = arith.constant 0 : index
    %swap3A_9 = vector.load %arg3[%swap3A, %swap3A_8] : memref<1280x128xf32, #tpu.memory_space<vmem>>, vector<1280x128xf32>
    tpu.vector_store %arg3[%swap3A, %swap3A_8], %log3A {strides = array<i32>} : memref<1280x128xf32, #tpu.memory_space<vmem>>, vector<1280x128xf32>,
    return
  }
  func.func @transform_0(%arg0: i32) -> (i32, i32) {
    %c0_i32 = arith.constant 0 : i32
    %c0_i32_0 = arith.constant 0 : i32
    return %arg0, %c0_i32 : i32, i32
  }
  func.func @transform_1(%arg0: i32) -> (i32, i32) {
    %c0_i32 = arith.constant 0 : i32
    %c0_i32_0 = arith.constant 0 : i32
    %c0_i32_1 = arith.constant 0 : i32
    return %c0_i32, %c0_i32_0 : i32, i32
  }
  func.func @transform_2(%arg0: i32) -> (i32, i32) {
    %c0_i32 = arith.constant 0 : i32
    %c0_i32_0 = arith.constant 0 : i32
    return %arg0, %c0_i32 : i32, i32
  }
}

</mosaic_0001>

<sc_bundles>
// kernel: kernel.10.cloned.1.call-start
scs
__scs_entry_jumppad:
0x0: {  	(pc) =	sbr.rel $0x88, $3  }
0x1: {  	(tag) =	ssettag $0x0;
	lr =	simm.s32 $0x1  }
0x2: {  	[smem:$0x3F9B] =	sst lr;
	_ =	strace $0xD0000000  }
0x3: {  	_ = 	snop  }
0x4: {  	_ = 	snop  }
0x5: {  	_ = 	snop  }
0x6: {  	_ = 	snop  }
0x7: {  	_ = 	snop  }
__scs_overlays_trampoline_lowered:
0x8: {  	[smem:$0x3FAA] =	sst s0  }
0x9: {  	[smem:$0x3FAB] =	sst s1  }
0xa: {  	[smem:$0x3FAC] =	sst s2  }
0xb: {  	[smem:$0x3FAD] =	sst s3  }
0xc: {  	[smem:$0x3FAE] =	sst s4  }
0xd: {  	[smem:$0x3FAF] =	sst s5  }
0xe: {  	[smem:$0x3FB0] =	sst s6  }
0xf: {  	[smem:$0x3FB1] =	sst s7  }
0x10: {  	[smem:$0x3FB2] =	sst s8  }
0x11: {  	[smem:$0x3FB3] =	sst s9;
	s0 =	simm.s32 @!p0 $0x0  }
0x12: {  	s1 =	sld [smem:$0x3F99];
	s0 =	simm.s32 @p0 $0x1  }
0x13: {  	[smem:$0x3FB4] =	sst s0;
	s0 =	simm.s32 @!p1 $0x0  }
0x14: {  	s2 =	sld [smem:$0x3F98];
	s0 =	simm.s32 @p1 $0x1  }
0x15: {  	[smem:$0x3FB5] =	sst s0;
	s0 =	simm.s32 @!p2 $0x0  }
0x16: {  	s3 =	sld [smem:$0x3FDB];
	s0 =	simm.s32 @p2 $0x1  }
0x17: {  	s4 =	simm.s32 $0x1BF5;
	[smem:$0x3FB7] =	sst s0  }
0x18: {  	s0 =	sld [smem:$0x3F9A];
	_ =	swait.ge [sflag:s4], $0x0  }
0x19: {  	s7 =	sld [smem:$0x3F9B]  }
0x1a: {  	s8 =	sadd.s32 $0xFFFFE003, lr  }
0x1b: {  	s9 =	sadd.s32 $0xFFFFFEF7, lr;
	s5 =	simm.s32 $0xFFFFFFFF;
	p2 =	slt.u32 s8, $0xFFFFF086  }
0x1c: {  	p1 =	slt.u32 s9, $0xF7A;
	s5 =	simm.s32 @!p2 $0x0  }
0x1d: {  	s5 =	simm.s32 @p1 $0x1;
	p0 =	seq.s32 s7, s2  }
0x1e: {  	s7 =	smul.u32 @!p0 $0xF7A, s2;
	p2 =	seq.s32 @!p0 s5, $0x0  }
0x1f: {  	s9 =	smul.u32 $0xF7A, s1;
	s8 =	simm.s32 @!p0 $0x1BF5;
	p2 =	por !p2, p0  }
0x20: {  	[sflag:s8] =	ssyncset.s32 @!p0 $0xFFFFF086;
	s6 =	sadd.s32 @!p0 s3, s7;
	s7 =	simm.s32 @!p0 $0x108  }
0x21: {  	s3 =	sadd.s32 s3, s9;
	s6 =	sadd.s32 @!p0 $0x88, s6;
	s7 =	simm.s32 @p2 $0x1082  }
0x22: {  	[simem:s7], [sflag:s8] =	dma.local @!p0 [hbm:s6], $0xF7A  }
0x23: {  	s9 =	sor.u32 $0xD0000000, s2;
	s6 =	simm.s32 $0x108;
	_ =	swait.ge @!p0 [sflag:s8], $0x0  }
0x24: {  	s3 =	sadd.s32 $0x88, s3;
	s6 =	simm.s32 @!p1 $0x1082;
	[sflag:s4] =	ssyncset.s32 $0xFFFFF086  }
0x25: {  	[simem:s6], [sflag:s4] =	dma.local [hbm:s3], $0xF7A  }
0x26: {  	[smem:$0x3F9B] =	sst s1;
	(tag) =	ssettag s2;
	_ =	strace s9  }
0x27: {  	s1 =	sld [smem:$0x3FAB]  }
0x28: {  	s2 =	sld [smem:$0x3FAC]  }
0x29: {  	s4 =	sld [smem:$0x3FAE]  }
0x2a: {  	p0 =	seq.s32 s5, $0x0;
	s5 =	sld [smem:$0x3FAF]  }
0x2b: {  	s6 =	sld [smem:$0x3FB0]  }
0x2c: {  	s7 =	sld [smem:$0x3FB1]  }
0x2d: {  	s3 =	simm.s32 $0x108;
	s8 =	sld [smem:$0x3FB2]  }
0x2e: {  	s3 =	simm.s32 @!p0 $0x1082;
	s9 =	sld [smem:$0x3FB3]  }
0x2f: {  	lr =	sadd.s32 s0, s3;
	s0 =	sld [smem:$0x3FAA]  }
0x30: {  	s3 =	sld [smem:$0x3FAD]  }
0x31: {  	[smem:$0x3FB6] =	sst s10  }
0x32: {  	s10 =	sld [smem:$0x3FB4];
	_ =	sdelay $0x3  }
0x33: {  	p0 =	seq.s32 s10, $0x1;
	s10 =	sld [smem:$0x3FB6];
	_ =	sdelay $0x3  }
0x34: {  	[smem:$0x3FB6] =	sst s10  }
0x35: {  	s10 =	sld [smem:$0x3FB5];
	_ =	sdelay $0x3  }
0x36: {  	p1 =	seq.s32 s10, $0x1;
	s10 =	sld [smem:$0x3FB6];
	_ =	sdelay $0x3  }
0x37: {  	[smem:$0x3FB6] =	sst s10  }
0x38: {  	s10 =	sld [smem:$0x3FB7]  }
0x39: {  	_ = 	snop;
	(pc) =	sbr.ind lr, $3  }
0x3a: {  	_ = 	snop  }
0x3b: {  	_ = 	snop  }
0x3c: {  	p2 =	seq.s32 s10, $0x1;
	s10 =	sld [smem:$0x3FB6]  }
0x3d: {  	_ =	shalt  }
0x3e: {  	_ =	shalt  }
0x3f: {  	_ =	shalt  }
0x40: {  	_ =	shalt  }
0x41: {  	_ =	shalt  }
0x42: {  	_ =	shalt  }
0x43: {  	_ =	shalt  }
0x44: {  	_ =	shalt  }
0x45: {  	_ =	shalt  }
0x46: {  	_ =	shalt  }
0x47: {  	_ =	shalt  }
0x48: {  	_ =	shalt  }
0x49: {  	_ =	shalt  }
0x4a: {  	_ =	shalt  }
0x4b: {  	_ =	shalt  }
0x4c: {  	_ =	shalt  }
0x4d: {  	_ =	shalt  }
0x4e: {  	_ =	shalt  }
0x4f: {  	_ =	shalt  }
0x50: {  	_ =	shalt  }
0x51: {  	_ =	shalt  }
0x52: {  	_ =	shalt  }
0x53: {  	_ =	shalt  }
0x54: {  	_ =	shalt  }
0x55: {  	_ =	shalt  }
0x56: {  	_ =	shalt  }
0x57: {  	_ =	shalt  }
0x58: {  	_ =	shalt  }
0x59: {  	_ =	shalt  }
0x5a: {  	_ =	shalt  }
0x5b: {  	_ =	shalt  }
0x5c: {  	_ =	shalt  }
0x5d: {  	_ =	shalt  }
0x5e: {  	_ =	shalt  }
0x5f: {  	_ =	shalt  }
0x60: {  	_ =	shalt  }
0x61: {  	_ =	shalt  }
0x62: {  	_ =	shalt  }
0x63: {  	_ =	shalt  }
0x64: {  	_ =	shalt  }
0x65: {  	_ =	shalt  }
0x66: {  	_ =	shalt  }
0x67: {  	_ =	shalt  }
0x68: {  	_ =	shalt  }
0x69: {  	_ =	shalt  }
0x6a: {  	_ =	shalt  }
0x6b: {  	_ =	shalt  }
0x6c: {  	_ =	shalt  }
0x6d: {  	_ =	shalt  }
0x6e: {  	_ =	shalt  }
0x6f: {  	_ =	shalt  }
0x70: {  	_ =	shalt  }
0x71: {  	_ =	shalt  }
0x72: {  	_ =	shalt  }
0x73: {  	_ =	shalt  }
0x74: {  	_ =	shalt  }
0x75: {  	_ =	shalt  }
0x76: {  	_ =	shalt  }
0x77: {  	_ =	shalt  }
0x78: {  	_ =	shalt  }
0x79: {  	_ =	shalt  }
0x7a: {  	_ =	shalt  }
0x7b: {  	_ =	shalt  }
0x7c: {  	_ =	shalt  }
0x7d: {  	_ =	shalt  }
0x7e: {  	_ =	shalt  }
0x7f: {  	_ =	shalt  }
0x80: {  	_ =	shalt  }
0x81: {  	_ =	shalt  }
0x82: {  	_ =	shalt  }
0x83: {  	_ =	shalt  }
0x84: {  	_ =	shalt  }
0x85: {  	_ =	shalt  }
0x86: {  	_ =	shalt  }
0x87: {  	_ =	shalt  }
.Lfunc_end0:
.L_simem_size_0:
called_computation.1_lowered:
.L_overlay_start_0:
0x88: {  	s2 =	sld [smem:$0x3FD9]  }
0x89: {  	s3 =	sld [smem:$0x3FFE];
	_ =	sdelay $0x1  }
0x8a: {  	s1 =	srdreg.scid  }
0x8b: {  	s0 =	sand.u32 $0x1, s1  }
0x8c: {  	s14 =	sshll.u32 s0, $0xA;
	s2 =	sadd.s32 s3, s2  }
0x8d: {  	s2 =	sadd.s32 s2, s14  }
0x8e: {  	[smem:$0x3FC2] =	sst s2  }
0x8f: {  	_ = 	snop  }
0x90: {  	s2 =	sld [smem:$0x3FD0];
	_ =	sdelay $0x1  }
0x91: {  	s15 =	sld [smem:$0x3FC6]  }
0x92: {  	s5 =	simm.s32 $0xA;
	s6 =	simm.s32 $0x10;
	s4 =	sld [smem:$0x3FC4]  }
0x93: {  	[smem:s6], [sflag:s5] =	dma.local [hbm:s2], $0x1  }
0x94: {  	_ =	swait.eq [sflag:s5], $0x1  }
0x95: {  	[sflag:s5] =	ssyncset.done $0x0  }
0x96: {  	s16 =	sld [smem:$0x10];
	[sflag:s5] =	ssyncadd.s32 $0xFFFFFFFF  }
0x97: {  	s17 =	sld [smem:$0x11];
	(tm) =	ssettm $0x1  }
0x98: {  	s18 =	sld [smem:$0x3FFB];
	_ =	sdelay $0x3  }
0x99: {  	_ =	strace s18  }
0x9a: {  	s6 =	sld [smem:$0x3FFC];
	_ =	sdelay $0x3  }
0x9b: {  	_ =	strace s6  }
0x9c: {  	s6 =	sld [smem:$0x3FFD];
	_ =	sdelay $0x3  }
0x9d: {  	_ =	strace s6  }
0x9e: {  	_ =	strace $0x8FFFFFFF  }
0x9f: {  	s19 =	sld [smem:$0x3FDB];
	_ =	sdelay $0x1  }
0xa0: {  	s7 =	simm.s32 $_scs_section_size  }
0xa1: {  	s8 =	simm.s32 $_size__tile_overlayer_lowered;
	s9 =	simm.s32 $_tile_overlayer_lowered  }
0xa2: {  	s22 =	simm.s32 $0x1BFF;
	s21 =	sshll.u32 s9, $0x1;
	s6 =	sadd.s32 s7, s19  }
0xa3: {  	s10 =	simm.s32 $0x0;
	s20 =	sshll.u32 s8, $0x1;
	s8 =	sadd.s32 s21, s6  }
0xa4: {  	[timem:s10], [sflag:s22] =	dma.local [hbm:s8], s20  }
0xa5: {  	_ =	swait.ge [sflag:s22], s20  }
0xa6: {  	s7 =	ssub.s32 $0x0, s20;
	[sflag:s22] =	ssyncset.done $0x0  }
0xa7: {  	[sflag:s22] =	ssyncadd.s32 s7;
	_ =	sdelay $0x1  }
0xa8: {  	s23 =	simm.s32 $0x1B8B  }
0xa9: {  	_ =	swait.ge [sflag:s23], $0x1  }
0xaa: {  	[sflag:s23] =	ssyncset.done $0x0  }
0xab: {  	s25 =	simm.s32 $0x1B8E;
	s24 =	sld [smem:$0x3FFE];
	[sflag:s23] =	ssyncadd.s32 $0xFFFFFFFF  }
0xac: {  	s26 =	simm.s32 $execute0_lowered;
	[smem:$0x3FD2] =	sst s25  }
0xad: {  	s8 =	sshll.u32 s26, $0x1;
	_ =	strace $0x80000049;
	[dreg:$0x1] =	wrdreg $0xFFFFFFFF  }
0xae: {  	s28 =	simm.s32 $_size_execute0_lowered;
	s6 =	sadd.s32 s6, s8;
	[dreg:$0x0] =	wrdreg $0x0  }
0xaf: {  	s8 =	sshll.u32 s28, $0x1;
	[dreg:$0x2] =	wrdreg s6  }
0xb0: {  	[dreg:$0x3] =	wrdreg s8  }
0xb1: {  	[dreg:$0x4] =	wrdreg $0xC0  }
0xb2: {  	_ =	task [dreg:s10], $0x5FFFF  }
0xb3: {  	[dreg:$0x1] =	wrdreg $0xFFFFFFFF  }
0xb4: {  	[dreg:$0x0] =	wrdreg $0x60  }
0xb5: {  	[dreg:$0x2] =	wrdreg s16  }
0xb6: {  	[dreg:$0x3] =	wrdreg s17  }
0xb7: {  	[dreg:$0x4] =	wrdreg s15  }
0xb8: {  	[dreg:$0x5] =	wrdreg s4  }
0xb9: {  	[dreg:$0x6] =	wrdreg s24  }
0xba: {  	[dreg:$0x7] =	wrdreg $0x9  }
0xbb: {  	_ =	task.clear_ibuf [dreg:s10], $0x8FFFF;
	_ =	strace $0x90000049  }
0xbc: {  	s29 =	simm.s32 $0x9;
	_ =	strace $0x8000004B  }
0xbd: {  	_ =	swait.ge [sflag:s29], $0x1  }
0xbe: {  	[sflag:s29] =	ssyncadd.s32 $0xFFFFFFFF  }
0xbf: {  	_ =	strace $0x9000004B  }
0xc0: {  	_ =	sfence  }
0xc1: {  	s30 =	sld [smem:$0x0];
	_ =	sdelay $0x2  }
0xc2: {  	s31 =	sshll.u32 s1, $0xD;
	s1 =	sshrl.u32 s1, $0x2  }
0xc3: {  	s3 =	sand.u32 $0x4000, s31;
	s1 =	sadd.s32 s1, s30  }
0xc4: {  	s0 =	sor.u32 s3, s0;
	s1 =	sshll.u32 s1, $0x11  }
0xc5: {  	s0 =	sor.u32 s1, s0  }
0xc6: {  	s0 =	sadd.s32 $0x8F2B, s0  }
0xc7: {  	[sflag:s0] =	ssyncadd.remote.s32 $0x1  }
0xc8: {  	_ =	sfence.sel $0xFFFF  }
0xc9: {  	[dreg:$0x0] =	wrdreg $0xFFFFFFFF;
	(pc) =	sbr.abs _section_cstart, $3  }
0xca: {  	[dreg:$0x1] =	wrdreg $0xFFFFFFFF  }
0xcb: {  	_ =	task.clear_ibuf [dreg:s10], $0x2FFFF;
	_ =	strace $0x9FFFFFFF  }
0xcc: {  	(tm) =	ssettm $0x7FFFFFFF  }
0xcd: {  	_ =	shalt  }
tec
execute0_lowered:
.L_overlay_start_1:
0x0: {  	(tag) =	ssettag $0x1  }
0x1: {  	s0 =	rddreg [dreg:$0x0]  }
0x2: {  	s1 =	rddreg [dreg:$0x1]  }
0x3: {  	s2 =	rddreg [dreg:$0x2]  }
0x4: {  	s5 =	rddreg [dreg:$0x3]  }
0x5: {  	s3 =	srdreg.scid;
	s4 =	rddreg [dreg:$0x4]  }
0x6: {  	s8 =	stileid.u32;
	s6 =	simm.s32 $0x0;
	s18 =	simm.s32 $0xF000  }
0x7: {  	s19 =	simm.s32 $0xF100;
	s20 =	simm.s32 $0x3;
	s28 =	simm.s32 $0x7800  }
0x8: {  	s29 =	simm.s32 $0x1;
	s30 =	simm.s32 $0xA000;
	s3 =	sand.u32 $0x1, s3  }
0x9: {  	s31 =	simm.s32 $0x2;
	s12 =	simm.s32 $0x0;
	s7 =	sshll.u32 s3, $0x4  }
0xa: {  	[smem:$0x7FF] =	sst s6;
	s3 =	ssub.s32 $0x2, s3;
	s9 =	sor.u32 s8, s7  }
0xb: {  	_ =	strace $0x8000004A;
	s21 =	sshrl.u32 s3, $0x1;
	s7 =	smul.u32 $0x2710, s9  }
0xc: {  	s8 =	sadd.s32 $0x1400, s4;
	s9 =	smul.u32 $0x138800, s9;
	s3 =	ssub.s32 s3, s21  }
0xd: {  	s21 =	simm.s32 $0x50;
	s3 =	smax.u32 s3, $0x1;
	s11 =	sshrl.u32 s7, $0x3  }
0xe: {  	s10 =	sadd.s32 $0x50, s7;
	s9 =	sshrl.u32 s9, $0x3;
	s14 =	sadd.s32 $0xA0, s7  }
0xf: {  	s15 =	sadd.s32 $0xF0, s7;
	[dreg:$0xb] =	wrdreg s3;
	s3 =	simm.s32 $0xC800  }
0x10: {  	s22 =	sadd.s32 s2, s11;
	s23 =	sadd.s32 s5, s11;
	s24 =	sshrl.u32 s10, $0x3  }
0x11: {  	s26 =	sadd.s32 s8, s9;
	s9 =	simm.s32 $0x6;
	[dreg:$0x6] =	wrdreg s22  }
0x12: {  	[dreg:$0x7] =	wrdreg s23;
	s25 =	sadd.s32 s2, s24;
	s4 =	sadd.s32 s5, s24  }
0x13: {  	s22 =	simm.s32 $0x5000;
	s23 =	simm.s32 $0xF080;
	[dreg:$0x8] =	wrdreg s25  }
0x14: {  	s24 =	simm.s32 $0xF180;
	[dreg:$0x9] =	wrdreg s4;
	s4 =	sadd.s32 $0x26C00, s26  }
0x15: {  	s25 =	simm.s32 $0x4;
	s26 =	simm.s32 $0x2800;
	[dreg:$0xa] =	wrdreg s4  }
.LBB2_1:
0x16: {  	[dreg:$0xc] =	wrdreg s12  }
0x17: {  	s4 =	rddreg [dreg:$0x6]  }
0x18: {  	[tilespmem:s18], [sflag:$0x3] =	stream.linear.gather [hbm4b:s4+s6], $0x50, $0x38;
	[tilespmem:$0xF200] =	vst v63  }
0x19: {  	s13 =	rddreg [dreg:$0x7]  }
0x1a: {  	[tilespmem:s19], [sflag:$0x3] =	stream.linear.gather [hbm4b:s13+s6], $0x50, $0x38;
	[tilespmem:$0xF200] =	vst v63  }
0x1b: {  	_ =	swait.ge [sflag:s20], $0x50  }
0x1c: {  	[sflag:s20] =	ssyncset.done $0x0  }
0x1d: {  	[sflag:s20] =	ssyncadd.s32 $0xFFFFFFB0  }
0x1e: {  	_ =	swait.ge [sflag:s20], $0x50  }
0x1f: {  	[sflag:s20] =	ssyncset.done $0x0  }
0x20: {  	[sflag:s20] =	ssyncadd.s32 $0xFFFFFFB0  }
0x21: {  	[tilespmem:s6], [sflag:$0x1] =	stream.indirect.gather [hbm4b:s0+s21], $0x80, s18, s21, $0xb8;
	[tilespmem:$0xF200] =	vst v63  }
0x22: {  	_ = 	snop  }
0x23: {  	[tilespmem:s22], [sflag:$0x1] =	stream.indirect.gather [hbm4b:s1+s21], $0x80, s19, s21, $0xb8;
	[tilespmem:$0xF200] =	vst v63  }
0x24: {  	s16 =	rddreg [dreg:$0x8]  }
0x25: {  	[tilespmem:s23], [sflag:$0x4] =	stream.linear.gather [hbm4b:s16+s6], $0x50, $0x38;
	[tilespmem:$0xF200] =	vst v63  }
0x26: {  	s12 =	simm.s32 $0x0;
	s17 =	rddreg [dreg:$0x9]  }
0x27: {  	[tilespmem:s24], [sflag:$0x4] =	stream.linear.gather [hbm4b:s17+s6], $0x50, $0x38;
	[tilespmem:$0xF200] =	vst v63  }
.LBB2_2:
0x28: {  	_ =	swait.ge [sflag:s25], $0x50  }
0x29: {  	[sflag:s25] =	ssyncset.done $0x0  }
0x2a: {  	[sflag:s25] =	ssyncadd.s32 $0xFFFFFFB0  }
0x2b: {  	_ =	swait.ge [sflag:s25], $0x50  }
0x2c: {  	[sflag:s25] =	ssyncset.done $0x0  }
0x2d: {  	[sflag:s25] =	ssyncadd.s32 $0xFFFFFFB0  }
0x2e: {  	[tilespmem:s26], [sflag:$0x2] =	stream.indirect.gather [hbm4b:s0+s21], $0x80, s23, s21, $0xb8;
	[tilespmem:$0xF200] =	vst v63  }
0x2f: {  	_ = 	snop  }
0x30: {  	[tilespmem:s28], [sflag:$0x2] =	stream.indirect.gather [hbm4b:s1+s21], $0x80, s24, s21, $0xb8;
	[tilespmem:$0xF200] =	vst v63  }
0x31: {  	_ =	swait.ge [sflag:s29], $0x2800  }
0x32: {  	s13 =	smul.u32 $0xA0, s12;
	[sflag:s29] =	ssyncset.done $0x0  }
0x33: {  	[sflag:s29] =	ssyncadd.s32 $0xFFFFD800  }
0x34: {  	s4 =	sadd.s32 s13, s14;
	_ =	swait.ge [sflag:s29], $0x2800  }
0x35: {  	s4 =	sshrl.u32 s4, $0x3;
	[sflag:s29] =	ssyncset.done $0x0  }
0x36: {  	s16 =	sadd.s32 s2, s4;
	[sflag:s29] =	ssyncadd.s32 $0xFFFFD800  }
0x37: {  	[tilespmem:s18], [sflag:$0x3] =	stream.linear.gather [hbm4b:s16+s6], $0x50, $0x38;
	[tilespmem:$0xF200] =	vst v63  }
0x38: {  	p0 =	seq.s32 s12, $0x0;
	s4 =	sadd.s32 s5, s4  }
0x39: {  	[tilespmem:s19], [sflag:$0x3] =	stream.linear.gather [hbm4b:s4+s6], $0x50, $0x38;
	[tilespmem:$0xF200] =	vst v63  }
0x3a: {  	s4 =	simm.s32 @!p0 $0x5  }
0x3b: {  	_ =	swait.ge @!p0 [sflag:s4], $0x2800  }
0x3c: {  	[sflag:s4] =	ssyncset.done @!p0 $0x0  }
0x3d: {  	s16 =	simm.s32 $0x0;
	[sflag:s4] =	ssyncadd.s32 @!p0 $0xFFFFD800  }
0x3e: {  	v0 =	vld [tilespmem:s16+$0x70]  }
0x3f: {  	v1 =	vld [tilespmem:s16+$0x5070]  }
0x40: {  	v2 =	vld [tilespmem:s16+$0x0]  }
0x41: {  	v3 =	vld [tilespmem:s16+$0x5000]  }
0x42: {  	v4 =	vld [tilespmem:s16+$0x10]  }
0x43: {  	v5 =	vld [tilespmem:s16+$0x5010]  }
0x44: {  	v6 =	vld [tilespmem:s16+$0x20]  }
0x45: {  	v7 =	vld [tilespmem:s16+$0x30]  }
0x46: {  	v0 =	vsub.f32 v0, v1;
	v1 =	vld [tilespmem:s16+$0x5020]  }
0x47: {  	v8 =	vld [tilespmem:s16+$0x5030]  }
0x48: {  	v9 =	vld [tilespmem:s16+$0x5040];
	v2 =	vsub.f32 v2, v3  }
0x49: {  	[tilespmem:s16+$0xA070] =	vst v0;
	v0 =	vsub.f32 v4, v5;
	v5 =	vld [tilespmem:s16+$0x40]  }
0x4a: {  	v3 =	vld [tilespmem:s16+$0x5050];
	[tilespmem:s16+$0xA000] =	vst v2  }
0x4b: {  	v2 =	vld [tilespmem:s16+$0x50];
	[tilespmem:s16+$0xA010] =	vst v0;
	v0 =	vsub.f32 v6, v1  }
0x4c: {  	v4 =	vld [tilespmem:s16+$0x5060];
	v6 =	vsub.f32 v7, v8  }
0x4d: {  	s17 =	simm.s32 $0x80;
	[tilespmem:s16+$0xA020] =	vst v0;
	v0 =	vld [tilespmem:s16+$0x60]  }
0x4e: {  	s4 =	simm.s32 $0x400;
	v5 =	vsub.f32 v5, v9;
	v1 =	vld [tilespmem:s17+$0x70];
	[tilespmem:s16+$0xA030] =	vst v6  }
.LBB2_3:
0x4f: {  	p0 =	sne.s32 s4, $0x9E00;
	v6 =	vld [tilespmem:s17+$0x5070]  }
0x50: {  	v7 =	vld [tilespmem:s17+$0x0];
	[tilespmem:s16+$0xA040] =	vst v5;
	v2 =	vsub.f32 v2, v3  }
0x51: {  	v3 =	vld [tilespmem:s17+$0x5000]  }
0x52: {  	v5 =	vld [tilespmem:s17+$0x10];
	[tilespmem:s16+$0xA050] =	vst v2;
	v0 =	vsub.f32 v0, v4  }
0x53: {  	v2 =	vld [tilespmem:s17+$0x5010]  }
0x54: {  	v4 =	vld [tilespmem:s17+$0x20];
	v1 =	vsub.f32 v1, v6;
	[tilespmem:s16+$0xA060] =	vst v0;
	s16 =	smov.u32 s17  }
0x55: {  	v0 =	vld [tilespmem:s16+$0x5020]  }
0x56: {  	v3 =	vsub.f32 v7, v3;
	v6 =	vld [tilespmem:s16+$0x30];
	[tilespmem:s16+$0xA070] =	vst v1  }
0x57: {  	v1 =	vld [tilespmem:s16+$0x5030]  }
0x58: {  	[tilespmem:s16+$0xA000] =	vst v3;
	v2 =	vsub.f32 v5, v2;
	v5 =	vld [tilespmem:s16+$0x40]  }
0x59: {  	v7 =	vld [tilespmem:s16+$0x5040]  }
.Ltmp0:
0x5a: {  	[tilespmem:s16+$0xA010] =	vst v2;
	v0 =	vsub.f32 v4, v0;
	v2 =	vld [tilespmem:s16+$0x50];
	(pc) =	sbr.rel @p0 .LBB2_3-.Ltmp0, $4  }
0x5b: {  	v3 =	vld [tilespmem:s16+$0x5050]  }
0x5c: {  	[tilespmem:s16+$0xA020] =	vst v0;
	v6 =	vsub.f32 v6, v1;
	v0 =	vld [tilespmem:s16+$0x60]  }
0x5d: {  	s17 =	sshra.s32 s4, $0x2;
	v4 =	vld [tilespmem:s16+$0x5060]  }
0x5e: {  	s4 =	sadd.s32 $0x200, s4;
	v1 =	vld [tilespmem:s17+$0x70];
	[tilespmem:s16+$0xA030] =	vst v6;
	v5 =	vsub.f32 v5, v7  }
0x5f: {  	v6 =	vld [tilespmem:s17+$0x5070]  }
0x60: {  	v7 =	vld [tilespmem:s17+$0x0];
	[tilespmem:s16+$0xA040] =	vst v5;
	v2 =	vsub.f32 v2, v3  }
0x61: {  	v3 =	vld [tilespmem:s17+$0x5000]  }
0x62: {  	v5 =	vld [tilespmem:s17+$0x10];
	[tilespmem:s16+$0xA050] =	vst v2;
	v0 =	vsub.f32 v0, v4  }
0x63: {  	v2 =	vld [tilespmem:s17+$0x5010]  }
0x64: {  	v4 =	vld [tilespmem:s17+$0x20];
	[tilespmem:s16+$0xA060] =	vst v0  }
0x65: {  	v0 =	vsub.f32 v1, v6;
	v1 =	vld [tilespmem:s17+$0x5020]  }
0x66: {  	v6 =	vld [tilespmem:s17+$0x30]  }
0x67: {  	v3 =	vsub.f32 v7, v3;
	[tilespmem:s17+$0xA070] =	vst v0;
	v0 =	vld [tilespmem:s17+$0x5030]  }
0x68: {  	v7 =	vld [tilespmem:s17+$0x5060]  }
0x69: {  	[tilespmem:s17+$0xA000] =	vst v3;
	v2 =	vsub.f32 v5, v2;
	v3 =	vld [tilespmem:s17+$0x40]  }
0x6a: {  	v5 =	vld [tilespmem:s17+$0x5040]  }
0x6b: {  	[tilespmem:s17+$0xA010] =	vst v2;
	v1 =	vsub.f32 v4, v1;
	v2 =	vld [tilespmem:s17+$0x50]  }
0x6c: {  	v4 =	vld [tilespmem:s17+$0x5050]  }
0x6d: {  	[tilespmem:s17+$0xA020] =	vst v1;
	v1 =	vld [tilespmem:s17+$0x60];
	_ =	sdelay $0x1  }
0x6e: {  	v0 =	vsub.f32 v6, v0  }
0x6f: {  	v3 =	vsub.f32 v3, v5  }
0x70: {  	[tilespmem:s17+$0xA030] =	vst v0;
	v0 =	vsub.f32 v2, v4  }
0x71: {  	s4 =	sadd.s32 s7, s13;
	[tilespmem:s17+$0xA040] =	vst v3;
	v1 =	vsub.f32 v1, v7  }
0x72: {  	s4 =	sshll.u32 s4, $0x4;
	[tilespmem:s17+$0xA050] =	vst v0  }
0x73: {  	s4 =	sadd.s32 s8, s4;
	[tilespmem:s17+$0xA060] =	vst v1  }
0x74: {  	[hbm4b:s4+s6] =	stream.linear.scatter [tilespmem:s30], [sflag:$0x5], $0x2800, $0x38;
	[tilespmem:$0xF200] =	vst v63  }
0x75: {  	_ =	swait.ge [sflag:s20], $0x50  }
0x76: {  	[sflag:s20] =	ssyncset.done $0x0  }
0x77: {  	[sflag:s20] =	ssyncadd.s32 $0xFFFFFFB0  }
0x78: {  	_ =	swait.ge [sflag:s20], $0x50  }
0x79: {  	[sflag:s20] =	ssyncset.done $0x0  }
0x7a: {  	[sflag:s20] =	ssyncadd.s32 $0xFFFFFFB0  }
0x7b: {  	[tilespmem:s6], [sflag:$0x1] =	stream.indirect.gather [hbm4b:s0+s21], $0x80, s18, s21, $0xb8;
	[tilespmem:$0xF200] =	vst v63  }
0x7c: {  	_ = 	snop  }
0x7d: {  	[tilespmem:s22], [sflag:$0x1] =	stream.indirect.gather [hbm4b:s1+s21], $0x80, s19, s21, $0xb8;
	[tilespmem:$0xF200] =	vst v63  }
0x7e: {  	_ =	swait.ge [sflag:s31], $0x2800  }
0x7f: {  	[sflag:s31] =	ssyncset.done $0x0  }
0x80: {  	p0 =	seq.s32 s12, $0x3D;
	[sflag:s31] =	ssyncadd.s32 $0xFFFFD800  }
0x81: {  	s4 =	sadd.s32 @!p0 s13, s15;
	_ =	swait.ge [sflag:s31], $0x2800  }
0x82: {  	s11 =	simm.s32 @!p0 $0xF080;
	s4 =	sshrl.u32 @!p0 s4, $0x3;
	[sflag:s31] =	ssyncset.done $0x0  }
0x83: {  	s17 =	simm.s32 @!p0 $0x0;
	s16 =	sadd.s32 @!p0 s2, s4;
	[sflag:s31] =	ssyncadd.s32 $0xFFFFD800  }
0x84: {  	[tilespmem:s11], [sflag:$0x4] =	stream.linear.gather @!p0 [hbm4b:s16+s17], $0x50, $0x38;
	[tilespmem:$0xF200] =	vst v63  }
0x85: {  	p1 =	seq.s32 @!p0 s12, $0x0;
	s4 =	sadd.s32 @!p0 s5, s4;
	s11 =	simm.s32 @!p0 $0xF180  }
0x86: {  	[tilespmem:s11], [sflag:$0x4] =	stream.linear.gather @!p0 [hbm4b:s4+s17], $0x50, $0x38;
	[tilespmem:$0xF200] =	vst v63  }
0x87: {  	p0 =	por p0, !p1  }
0x88: {  	_ =	swait.ge @p0 [sflag:s9], $0x2800  }
0x89: {  	[sflag:s9] =	ssyncset.done @p0 $0x0  }
0x8a: {  	s16 =	simm.s32 $0x0;
	[sflag:s9] =	ssyncadd.s32 @p0 $0xFFFFD800  }
0x8b: {  	v0 =	vld [tilespmem:s16+$0x2870]  }
0x8c: {  	v1 =	vld [tilespmem:s16+$0x7870]  }
0x8d: {  	v2 =	vld [tilespmem:s16+$0x2800]  }
0x8e: {  	v3 =	vld [tilespmem:s16+$0x7800]  }
0x8f: {  	v4 =	vld [tilespmem:s16+$0x2810]  }
0x90: {  	v5 =	vld [tilespmem:s16+$0x7810]  }
0x91: {  	v6 =	vld [tilespmem:s16+$0x2820]  }
0x92: {  	v7 =	vld [tilespmem:s16+$0x2830]  }
0x93: {  	v0 =	vsub.f32 v0, v1;
	v1 =	vld [tilespmem:s16+$0x7820]  }
0x94: {  	v8 =	vld [tilespmem:s16+$0x7830]  }
0x95: {  	v9 =	vld [tilespmem:s16+$0x7840];
	v2 =	vsub.f32 v2, v3  }
0x96: {  	[tilespmem:s16+$0xC870] =	vst v0;
	v0 =	vsub.f32 v4, v5;
	v5 =	vld [tilespmem:s16+$0x2840]  }
0x97: {  	v3 =	vld [tilespmem:s16+$0x7850];
	[tilespmem:s16+$0xC800] =	vst v2  }
0x98: {  	v2 =	vld [tilespmem:s16+$0x2850];
	[tilespmem:s16+$0xC810] =	vst v0;
	v0 =	vsub.f32 v6, v1  }
0x99: {  	v4 =	vld [tilespmem:s16+$0x7860];
	v6 =	vsub.f32 v7, v8  }
0x9a: {  	s17 =	simm.s32 $0x80;
	[tilespmem:s16+$0xC820] =	vst v0;
	v0 =	vld [tilespmem:s16+$0x2860]  }
0x9b: {  	s4 =	simm.s32 $0x400;
	v5 =	vsub.f32 v5, v9;
	v1 =	vld [tilespmem:s17+$0x2870];
	[tilespmem:s16+$0xC830] =	vst v6  }
.LBB2_5:
0x9c: {  	p0 =	sne.s32 s4, $0x9E00;
	v6 =	vld [tilespmem:s17+$0x7870]  }
0x9d: {  	v7 =	vld [tilespmem:s17+$0x2800];
	[tilespmem:s16+$0xC840] =	vst v5;
	v2 =	vsub.f32 v2, v3  }
0x9e: {  	v3 =	vld [tilespmem:s17+$0x7800]  }
0x9f: {  	v5 =	vld [tilespmem:s17+$0x2810];
	[tilespmem:s16+$0xC850] =	vst v2;
	v0 =	vsub.f32 v0, v4  }
0xa0: {  	v2 =	vld [tilespmem:s17+$0x7810]  }
0xa1: {  	v4 =	vld [tilespmem:s17+$0x2820];
	v1 =	vsub.f32 v1, v6;
	[tilespmem:s16+$0xC860] =	vst v0;
	s16 =	smov.u32 s17  }
0xa2: {  	v0 =	vld [tilespmem:s16+$0x7820]  }
0xa3: {  	v3 =	vsub.f32 v7, v3;
	v6 =	vld [tilespmem:s16+$0x2830];
	[tilespmem:s16+$0xC870] =	vst v1  }
0xa4: {  	v1 =	vld [tilespmem:s16+$0x7830]  }
0xa5: {  	[tilespmem:s16+$0xC800] =	vst v3;
	v2 =	vsub.f32 v5, v2;
	v5 =	vld [tilespmem:s16+$0x2840]  }
0xa6: {  	v7 =	vld [tilespmem:s16+$0x7840]  }
.Ltmp1:
0xa7: {  	[tilespmem:s16+$0xC810] =	vst v2;
	v0 =	vsub.f32 v4, v0;
	v2 =	vld [tilespmem:s16+$0x2850];
	(pc) =	sbr.rel @p0 .LBB2_5-.Ltmp1, $4  }
0xa8: {  	v3 =	vld [tilespmem:s16+$0x7850]  }
0xa9: {  	[tilespmem:s16+$0xC820] =	vst v0;
	v6 =	vsub.f32 v6, v1;
	v0 =	vld [tilespmem:s16+$0x2860]  }
0xaa: {  	s17 =	sshra.s32 s4, $0x2;
	v4 =	vld [tilespmem:s16+$0x7860]  }
0xab: {  	s4 =	sadd.s32 $0x200, s4;
	v1 =	vld [tilespmem:s17+$0x2870];
	[tilespmem:s16+$0xC830] =	vst v6;
	v5 =	vsub.f32 v5, v7  }
0xac: {  	v6 =	vld [tilespmem:s17+$0x7870]  }
0xad: {  	v7 =	vld [tilespmem:s17+$0x2800];
	[tilespmem:s16+$0xC840] =	vst v5;
	v2 =	vsub.f32 v2, v3  }
0xae: {  	v51 =	vld [tilespmem:s17+$0x7800]  }
0xaf: {  	v5 =	vld [tilespmem:s17+$0x2810];
	[tilespmem:s16+$0xC850] =	vst v2;
	v0 =	vsub.f32 v0, v4  }
0xb0: {  	v2 =	vld [tilespmem:s17+$0x7810]  }
0xb1: {  	v52 =	vld [tilespmem:s17+$0x2820];
	[tilespmem:s16+$0xC860] =	vst v0  }
0xb2: {  	v54 =	vld [tilespmem:s17+$0x7820]  }
0xb3: {  	v55 =	vld [tilespmem:s17+$0x2830]  }
0xb4: {  	v56 =	vld [tilespmem:s17+$0x7830]  }
0xb5: {  	v57 =	vld [tilespmem:s17+$0x2840]  }
0xb6: {  	v58 =	vld [tilespmem:s17+$0x7840]  }
0xb7: {  	v59 =	vld [tilespmem:s17+$0x2850]  }
0xb8: {  	v53 =	vsub.f32 v1, v6;
	v60 =	vld [tilespmem:s17+$0x7850]  }
0xb9: {  	v61 =	vld [tilespmem:s17+$0x2860];
	v3 =	vsub.f32 v7, v51  }
0xba: {  	v62 =	vld [tilespmem:s17+$0x7860];
	[tilespmem:s17+$0xC870] =	vst v53;
	v2 =	vsub.f32 v5, v2  }
0xbb: {  	[tilespmem:s17+$0xC800] =	vst v3;
	v1 =	vsub.f32 v52, v54  }
0xbc: {  	s12 =	sadd.s32 $0x1, s12;
	[tilespmem:s17+$0xC810] =	vst v2;
	v0 =	vsub.f32 v55, v56  }
0xbd: {  	p0 =	sne.s32 s12, $0x3E;
	v3 =	vsub.f32 v57, v58;
	[tilespmem:s17+$0xC820] =	vst v1  }
.Ltmp2:
0xbe: {  	v63 =	vsub.f32 v59, v60;
	[tilespmem:s17+$0xC830] =	vst v0;
	(pc) =	sbr.rel @p0 .LBB2_2-.Ltmp2, $4  }
0xbf: {  	s4 =	sadd.s32 s13, s10;
	[tilespmem:s17+$0xC840] =	vst v3;
	v1 =	vsub.f32 v61, v62  }
0xc0: {  	s4 =	sshll.u32 s4, $0x4;
	[tilespmem:s17+$0xC850] =	vst v63  }
0xc1: {  	s4 =	sadd.s32 s8, s4;
	[tilespmem:s17+$0xC860] =	vst v1  }
0xc2: {  	[hbm4b:s4+s6] =	stream.linear.scatter [tilespmem:s3], [sflag:$0x6], $0x2800, $0x38;
	[tilespmem:$0xF200] =	vst v63  }
0xc3: {  	_ =	swait.ge [sflag:s29], $0x2800  }
0xc4: {  	[sflag:s29] =	ssyncset.done $0x0  }
0xc5: {  	[sflag:s29] =	ssyncadd.s32 $0xFFFFD800  }
0xc6: {  	_ =	swait.ge [sflag:s29], $0x2800  }
0xc7: {  	[sflag:s29] =	ssyncset.done $0x0  }
0xc8: {  	s11 =	simm.s32 $0x5;
	[sflag:s29] =	ssyncadd.s32 $0xFFFFD800  }
0xc9: {  	_ =	swait.ge [sflag:s11], $0x2800  }
0xca: {  	[sflag:s11] =	ssyncset.done $0x0  }
0xcb: {  	s12 =	simm.s32 $0x0;
	[sflag:s11] =	ssyncadd.s32 $0xFFFFD800  }
0xcc: {  	v0 =	vld [tilespmem:s12+$0x70]  }
0xcd: {  	v1 =	vld [tilespmem:s12+$0x5070]  }
0xce: {  	v2 =	vld [tilespmem:s12+$0x0]  }
0xcf: {  	v3 =	vld [tilespmem:s12+$0x5000]  }
0xd0: {  	v4 =	vld [tilespmem:s12+$0x10]  }
0xd1: {  	v5 =	vld [tilespmem:s12+$0x5010]  }
0xd2: {  	v6 =	vld [tilespmem:s12+$0x20]  }
0xd3: {  	v7 =	vld [tilespmem:s12+$0x30]  }
0xd4: {  	v0 =	vsub.f32 v0, v1;
	v1 =	vld [tilespmem:s12+$0x5020]  }
0xd5: {  	v8 =	vld [tilespmem:s12+$0x5030]  }
0xd6: {  	v9 =	vld [tilespmem:s12+$0x5040];
	v2 =	vsub.f32 v2, v3  }
0xd7: {  	[tilespmem:s12+$0xA070] =	vst v0;
	v0 =	vsub.f32 v4, v5;
	v5 =	vld [tilespmem:s12+$0x40]  }
0xd8: {  	v3 =	vld [tilespmem:s12+$0x5050];
	[tilespmem:s12+$0xA000] =	vst v2  }
0xd9: {  	v2 =	vld [tilespmem:s12+$0x50];
	[tilespmem:s12+$0xA010] =	vst v0;
	v0 =	vsub.f32 v6, v1  }
0xda: {  	v4 =	vld [tilespmem:s12+$0x5060];
	v6 =	vsub.f32 v7, v8  }
0xdb: {  	s13 =	simm.s32 $0x80;
	[tilespmem:s12+$0xA020] =	vst v0;
	v0 =	vld [tilespmem:s12+$0x60]  }
0xdc: {  	s4 =	simm.s32 $0x400;
	v5 =	vsub.f32 v5, v9;
	v1 =	vld [tilespmem:s13+$0x70];
	[tilespmem:s12+$0xA030] =	vst v6  }
.LBB2_8:
0xdd: {  	p0 =	sne.s32 s4, $0x9E00;
	v6 =	vld [tilespmem:s13+$0x5070]  }
0xde: {  	v7 =	vld [tilespmem:s13+$0x0];
	[tilespmem:s12+$0xA040] =	vst v5;
	v2 =	vsub.f32 v2, v3  }
0xdf: {  	v3 =	vld [tilespmem:s13+$0x5000]  }
0xe0: {  	v5 =	vld [tilespmem:s13+$0x10];
	[tilespmem:s12+$0xA050] =	vst v2;
	v0 =	vsub.f32 v0, v4  }
0xe1: {  	v2 =	vld [tilespmem:s13+$0x5010]  }
0xe2: {  	v4 =	vld [tilespmem:s13+$0x20];
	v1 =	vsub.f32 v1, v6;
	[tilespmem:s12+$0xA060] =	vst v0;
	s12 =	smov.u32 s13  }
0xe3: {  	v0 =	vld [tilespmem:s12+$0x5020]  }
0xe4: {  	v3 =	vsub.f32 v7, v3;
	v6 =	vld [tilespmem:s12+$0x30];
	[tilespmem:s12+$0xA070] =	vst v1  }
0xe5: {  	v1 =	vld [tilespmem:s12+$0x5030]  }
0xe6: {  	[tilespmem:s12+$0xA000] =	vst v3;
	v2 =	vsub.f32 v5, v2;
	v5 =	vld [tilespmem:s12+$0x40]  }
0xe7: {  	v7 =	vld [tilespmem:s12+$0x5040]  }
.Ltmp3:
0xe8: {  	[tilespmem:s12+$0xA010] =	vst v2;
	v0 =	vsub.f32 v4, v0;
	v2 =	vld [tilespmem:s12+$0x50];
	(pc) =	sbr.rel @p0 .LBB2_8-.Ltmp3, $4  }
0xe9: {  	v3 =	vld [tilespmem:s12+$0x5050]  }
0xea: {  	[tilespmem:s12+$0xA020] =	vst v0;
	v6 =	vsub.f32 v6, v1;
	v0 =	vld [tilespmem:s12+$0x60]  }
0xeb: {  	s13 =	sshra.s32 s4, $0x2;
	v4 =	vld [tilespmem:s12+$0x5060]  }
0xec: {  	s4 =	sadd.s32 $0x200, s4;
	v1 =	vld [tilespmem:s13+$0x70];
	[tilespmem:s12+$0xA030] =	vst v6;
	v5 =	vsub.f32 v5, v7  }
0xed: {  	v6 =	vld [tilespmem:s13+$0x5070]  }
0xee: {  	v7 =	vld [tilespmem:s13+$0x0];
	[tilespmem:s12+$0xA040] =	vst v5;
	v2 =	vsub.f32 v2, v3  }
0xef: {  	v51 =	vld [tilespmem:s13+$0x5000]  }
0xf0: {  	v5 =	vld [tilespmem:s13+$0x10];
	[tilespmem:s12+$0xA050] =	vst v2;
	v0 =	vsub.f32 v0, v4  }
0xf1: {  	v2 =	vld [tilespmem:s13+$0x5010]  }
0xf2: {  	v52 =	vld [tilespmem:s13+$0x20];
	[tilespmem:s12+$0xA060] =	vst v0  }
0xf3: {  	v54 =	vld [tilespmem:s13+$0x5020]  }
0xf4: {  	v55 =	vld [tilespmem:s13+$0x30]  }
0xf5: {  	v56 =	vld [tilespmem:s13+$0x5030]  }
0xf6: {  	v57 =	vld [tilespmem:s13+$0x40]  }
0xf7: {  	v58 =	vld [tilespmem:s13+$0x5040]  }
0xf8: {  	v59 =	vld [tilespmem:s13+$0x50]  }
0xf9: {  	v53 =	vsub.f32 v1, v6;
	v60 =	vld [tilespmem:s13+$0x5050]  }
0xfa: {  	v61 =	vld [tilespmem:s13+$0x60];
	v3 =	vsub.f32 v7, v51  }
0xfb: {  	v62 =	vld [tilespmem:s13+$0x5060];
	[tilespmem:s13+$0xA070] =	vst v53;
	v2 =	vsub.f32 v5, v2  }
0xfc: {  	[tilespmem:s13+$0xA000] =	vst v3;
	v1 =	vsub.f32 v52, v54  }
0xfd: {  	[tilespmem:s13+$0xA010] =	vst v2;
	v0 =	vsub.f32 v55, v56  }
0xfe: {  	v3 =	vsub.f32 v57, v58;
	[tilespmem:s13+$0xA020] =	vst v1  }
0xff: {  	v63 =	vsub.f32 v59, v60;
	[tilespmem:s13+$0xA030] =	vst v0  }
0x100: {  	[tilespmem:s13+$0xA040] =	vst v3;
	v1 =	vsub.f32 v61, v62  }
0x101: {  	[tilespmem:s13+$0xA050] =	vst v63  }
0x102: {  	s4 =	rddreg [dreg:$0xa];
	[tilespmem:s13+$0xA060] =	vst v1  }
0x103: {  	[hbm4b:s4+s6] =	stream.linear.scatter [tilespmem:s30], [sflag:$0x5], $0x2800, $0x38;
	[tilespmem:$0xF200] =	vst v63  }
0x104: {  	_ =	swait.ge [sflag:s9], $0x2800  }
0x105: {  	[sflag:s9] =	ssyncset.done $0x0  }
0x106: {  	[sflag:s9] =	ssyncadd.s32 $0xFFFFD800  }
0x107: {  	_ =	swait.ge [sflag:s11], $0x2800  }
0x108: {  	s16 =	rddreg [dreg:$0xc]  }
0x109: {  	s17 =	rddreg [dreg:$0xb];
	s12 =	sadd.s32 $0x1, s16  }
0x10a: {  	p0 =	sne.s32 s12, s17  }
.Ltmp4:
0x10b: {  	_ = 	snop;
	(pc) =	sbr.rel @p0 .LBB2_1-.Ltmp4, $3  }
0x10c: {  	_ =	sdelay $0x1  }
0x10d: {  	[sflag:s11] =	ssyncset.done $0x0  }
0x10e: {  	[sflag:s11] =	ssyncadd.s32 $0xFFFFD800  }
0x10f: {  	_ =	sfence.sel $0x180000  }
0x110: {  	[bflag:$0x0] =	sbarrier.arrive $0xFFFF  }
0x111: {  	_ =	strace $0x9000004A  }
0x112: {  	s0 =	stileid.u32;
	[bflag:$0x2] =	sbarrier.arrive $0xFFFF  }
0x113: {  	p0 =	sne.s32 s0, $0x0;
	s0 =	rddreg [dreg:$0x5]  }
0x114: {  	s0 =	sadd.s32 @!p0 $0x100000, s0  }
0x115: {  	[sflag:s0] =	ssyncadd.tile.s32 @!p0 $0x1;
	_ =	shalt  }
.Lfunc_end2:
_tile_overlayer_lowered:
.L_overlay_start_2:
0x116: {  	(tag) =	ssettag $0x2  }
0x117: {  	s0 =	rddreg [dreg:$0x0];
	s2 =	stileid.u32  }
0x118: {  	s1 =	rddreg [dreg:$0x1];
	p0 =	sne.s32 s2, $0x0  }
0x119: {  	s3 =	rddreg [dreg:$0x2];
	[bflag:$0x3] =	sbarrier.arrive $0xFFFF;
	s2 =	simm.s32 @!p0 $0x1C07  }
0x11a: {  	[timem:s3], [sflag:s2] =	dma.local @!p0 [hbm:s0], s1  }
0x11b: {  	s0 =	simm.s32 @!p0 $0x7  }
0x11c: {  	_ =	swait.ge @!p0 [sflag:s0], s1  }
0x11d: {  	s1 =	ssub.s32 @!p0 $0x0, s1;
	[sflag:s0] =	ssyncset.done @!p0 $0x0  }
0x11e: {  	[sflag:s0] =	ssyncadd.s32 @!p0 s1  }
0x11f: {  	[bflag:$0x3] =	sbarrier.arrive $0xFFFF  }
0x120: {  	_ =	shalt  }

// kernel: kernel.7.cloned.1.call-start
scs
__scs_entry_jumppad:
0x0: {  	(pc) =	sbr.rel $0x88, $3  }
0x1: {  	(tag) =	ssettag $0x0;
	lr =	simm.s32 $0x1  }
0x2: {  	[smem:$0x3F9B] =	sst lr;
	_ =	strace $0xD0000000  }
0x3: {  	_ = 	snop  }
0x4: {  	_ = 	snop  }
0x5: {  	_ = 	snop  }
0x6: {  	_ = 	snop  }
0x7: {  	_ = 	snop  }
__scs_overlays_trampoline_lowered:
0x8: {  	[smem:$0x3FAA] =	sst s0  }
0x9: {  	[smem:$0x3FAB] =	sst s1  }
0xa: {  	[smem:$0x3FAC] =	sst s2  }
0xb: {  	[smem:$0x3FAD] =	sst s3  }
0xc: {  	[smem:$0x3FAE] =	sst s4  }
0xd: {  	[smem:$0x3FAF] =	sst s5  }
0xe: {  	[smem:$0x3FB0] =	sst s6  }
0xf: {  	[smem:$0x3FB1] =	sst s7  }
0x10: {  	[smem:$0x3FB2] =	sst s8  }
0x11: {  	[smem:$0x3FB3] =	sst s9;
	s0 =	simm.s32 @!p0 $0x0  }
0x12: {  	s1 =	sld [smem:$0x3F99];
	s0 =	simm.s32 @p0 $0x1  }
0x13: {  	[smem:$0x3FB4] =	sst s0;
	s0 =	simm.s32 @!p1 $0x0  }
0x14: {  	s2 =	sld [smem:$0x3F98];
	s0 =	simm.s32 @p1 $0x1  }
0x15: {  	[smem:$0x3FB5] =	sst s0;
	s0 =	simm.s32 @!p2 $0x0  }
0x16: {  	s3 =	sld [smem:$0x3FDB];
	s0 =	simm.s32 @p2 $0x1  }
0x17: {  	s4 =	simm.s32 $0x1BF5;
	[smem:$0x3FB7] =	sst s0  }
0x18: {  	s0 =	sld [smem:$0x3F9A];
	_ =	swait.ge [sflag:s4], $0x0  }
0x19: {  	s7 =	sld [smem:$0x3F9B]  }
0x1a: {  	s8 =	sadd.s32 $0xFFFFE003, lr  }
0x1b: {  	s9 =	sadd.s32 $0xFFFFFEF7, lr;
	s5 =	simm.s32 $0xFFFFFFFF;
	p2 =	slt.u32 s8, $0xFFFFF086  }
0x1c: {  	p1 =	slt.u32 s9, $0xF7A;
	s5 =	simm.s32 @!p2 $0x0  }
0x1d: {  	s5 =	simm.s32 @p1 $0x1;
	p0 =	seq.s32 s7, s2  }
0x1e: {  	s7 =	smul.u32 @!p0 $0xF7A, s2;
	p2 =	seq.s32 @!p0 s5, $0x0  }
0x1f: {  	s9 =	smul.u32 $0xF7A, s1;
	s8 =	simm.s32 @!p0 $0x1BF5;
	p2 =	por !p2, p0  }
0x20: {  	[sflag:s8] =	ssyncset.s32 @!p0 $0xFFFFF086;
	s6 =	sadd.s32 @!p0 s3, s7;
	s7 =	simm.s32 @!p0 $0x108  }
0x21: {  	s3 =	sadd.s32 s3, s9;
	s6 =	sadd.s32 @!p0 $0x88, s6;
	s7 =	simm.s32 @p2 $0x1082  }
0x22: {  	[simem:s7], [sflag:s8] =	dma.local @!p0 [hbm:s6], $0xF7A  }
0x23: {  	s9 =	sor.u32 $0xD0000000, s2;
	s6 =	simm.s32 $0x108;
	_ =	swait.ge @!p0 [sflag:s8], $0x0  }
0x24: {  	s3 =	sadd.s32 $0x88, s3;
	s6 =	simm.s32 @!p1 $0x1082;
	[sflag:s4] =	ssyncset.s32 $0xFFFFF086  }
0x25: {  	[simem:s6], [sflag:s4] =	dma.local [hbm:s3], $0xF7A  }
0x26: {  	[smem:$0x3F9B] =	sst s1;
	(tag) =	ssettag s2;
	_ =	strace s9  }
0x27: {  	s1 =	sld [smem:$0x3FAB]  }
0x28: {  	s2 =	sld [smem:$0x3FAC]  }
0x29: {  	s4 =	sld [smem:$0x3FAE]  }
0x2a: {  	p0 =	seq.s32 s5, $0x0;
	s5 =	sld [smem:$0x3FAF]  }
0x2b: {  	s6 =	sld [smem:$0x3FB0]  }
0x2c: {  	s7 =	sld [smem:$0x3FB1]  }
0x2d: {  	s3 =	simm.s32 $0x108;
	s8 =	sld [smem:$0x3FB2]  }
0x2e: {  	s3 =	simm.s32 @!p0 $0x1082;
	s9 =	sld [smem:$0x3FB3]  }
0x2f: {  	lr =	sadd.s32 s0, s3;
	s0 =	sld [smem:$0x3FAA]  }
0x30: {  	s3 =	sld [smem:$0x3FAD]  }
0x31: {  	[smem:$0x3FB6] =	sst s10  }
0x32: {  	s10 =	sld [smem:$0x3FB4];
	_ =	sdelay $0x3  }
0x33: {  	p0 =	seq.s32 s10, $0x1;
	s10 =	sld [smem:$0x3FB6];
	_ =	sdelay $0x3  }
0x34: {  	[smem:$0x3FB6] =	sst s10  }
0x35: {  	s10 =	sld [smem:$0x3FB5];
	_ =	sdelay $0x3  }
0x36: {  	p1 =	seq.s32 s10, $0x1;
	s10 =	sld [smem:$0x3FB6];
	_ =	sdelay $0x3  }
0x37: {  	[smem:$0x3FB6] =	sst s10  }
0x38: {  	s10 =	sld [smem:$0x3FB7]  }
0x39: {  	_ = 	snop;
	(pc) =	sbr.ind lr, $3  }
0x3a: {  	_ = 	snop  }
0x3b: {  	_ = 	snop  }
0x3c: {  	p2 =	seq.s32 s10, $0x1;
	s10 =	sld [smem:$0x3FB6]  }
0x3d: {  	_ =	shalt  }
0x3e: {  	_ =	shalt  }
0x3f: {  	_ =	shalt  }
0x40: {  	_ =	shalt  }
0x41: {  	_ =	shalt  }
0x42: {  	_ =	shalt  }
0x43: {  	_ =	shalt  }
0x44: {  	_ =	shalt  }
0x45: {  	_ =	shalt  }
0x46: {  	_ =	shalt  }
0x47: {  	_ =	shalt  }
0x48: {  	_ =	shalt  }
0x49: {  	_ =	shalt  }
0x4a: {  	_ =	shalt  }
0x4b: {  	_ =	shalt  }
0x4c: {  	_ =	shalt  }
0x4d: {  	_ =	shalt  }
0x4e: {  	_ =	shalt  }
0x4f: {  	_ =	shalt  }
0x50: {  	_ =	shalt  }
0x51: {  	_ =	shalt  }
0x52: {  	_ =	shalt  }
0x53: {  	_ =	shalt  }
0x54: {  	_ =	shalt  }
0x55: {  	_ =	shalt  }
0x56: {  	_ =	shalt  }
0x57: {  	_ =	shalt  }
0x58: {  	_ =	shalt  }
0x59: {  	_ =	shalt  }
0x5a: {  	_ =	shalt  }
0x5b: {  	_ =	shalt  }
0x5c: {  	_ =	shalt  }
0x5d: {  	_ =	shalt  }
0x5e: {  	_ =	shalt  }
0x5f: {  	_ =	shalt  }
0x60: {  	_ =	shalt  }
0x61: {  	_ =	shalt  }
0x62: {  	_ =	shalt  }
0x63: {  	_ =	shalt  }
0x64: {  	_ =	shalt  }
0x65: {  	_ =	shalt  }
0x66: {  	_ =	shalt  }
0x67: {  	_ =	shalt  }
0x68: {  	_ =	shalt  }
0x69: {  	_ =	shalt  }
0x6a: {  	_ =	shalt  }
0x6b: {  	_ =	shalt  }
0x6c: {  	_ =	shalt  }
0x6d: {  	_ =	shalt  }
0x6e: {  	_ =	shalt  }
0x6f: {  	_ =	shalt  }
0x70: {  	_ =	shalt  }
0x71: {  	_ =	shalt  }
0x72: {  	_ =	shalt  }
0x73: {  	_ =	shalt  }
0x74: {  	_ =	shalt  }
0x75: {  	_ =	shalt  }
0x76: {  	_ =	shalt  }
0x77: {  	_ =	shalt  }
0x78: {  	_ =	shalt  }
0x79: {  	_ =	shalt  }
0x7a: {  	_ =	shalt  }
0x7b: {  	_ =	shalt  }
0x7c: {  	_ =	shalt  }
0x7d: {  	_ =	shalt  }
0x7e: {  	_ =	shalt  }
0x7f: {  	_ =	shalt  }
0x80: {  	_ =	shalt  }
0x81: {  	_ =	shalt  }
0x82: {  	_ =	shalt  }
0x83: {  	_ =	shalt  }
0x84: {  	_ =	shalt  }
0x85: {  	_ =	shalt  }
0x86: {  	_ =	shalt  }
0x87: {  	_ =	shalt  }
.Lfunc_end0:
.L_simem_size_0:
called_computation_lowered:
.L_overlay_start_0:
0x88: {  	s2 =	sld [smem:$0x3FD9]  }
0x89: {  	s3 =	sld [smem:$0x3FFE];
	_ =	sdelay $0x1  }
0x8a: {  	s1 =	srdreg.scid  }
0x8b: {  	s0 =	sand.u32 $0x1, s1  }
0x8c: {  	s14 =	sshll.u32 s0, $0xA;
	s2 =	sadd.s32 s3, s2  }
0x8d: {  	s2 =	sadd.s32 s2, s14  }
0x8e: {  	[smem:$0x3FC2] =	sst s2  }
0x8f: {  	_ = 	snop  }
0x90: {  	s2 =	sld [smem:$0x3FD0];
	_ =	sdelay $0x2  }
0x91: {  	s4 =	simm.s32 $0xA;
	s5 =	simm.s32 $0x10;
	s15 =	sld [smem:$0x3FC5]  }
0x92: {  	[smem:s5], [sflag:s4] =	dma.local [hbm:s2], $0x1  }
0x93: {  	_ =	swait.eq [sflag:s4], $0x1  }
0x94: {  	[sflag:s4] =	ssyncset.done $0x0  }
0x95: {  	[sflag:s4] =	ssyncadd.s32 $0xFFFFFFFF  }
0x96: {  	s16 =	sld [smem:$0x11];
	(tm) =	ssettm $0x1  }
0x97: {  	s17 =	sld [smem:$0x3FFB];
	_ =	sdelay $0x3  }
0x98: {  	_ =	strace s17  }
0x99: {  	s4 =	sld [smem:$0x3FFC];
	_ =	sdelay $0x3  }
0x9a: {  	_ =	strace s4  }
0x9b: {  	s4 =	sld [smem:$0x3FFD];
	_ =	sdelay $0x3  }
0x9c: {  	_ =	strace s4  }
0x9d: {  	_ =	strace $0x8FFFFFFF  }
0x9e: {  	s18 =	sld [smem:$0x3FDB];
	_ =	sdelay $0x1  }
0x9f: {  	s19 =	simm.s32 $_scs_section_size  }
0xa0: {  	s6 =	simm.s32 $_size__tile_overlayer_lowered;
	s7 =	simm.s32 $_tile_overlayer_lowered  }
0xa1: {  	s22 =	simm.s32 $0x1BFF;
	s21 =	sshll.u32 s7, $0x1;
	s4 =	sadd.s32 s19, s18  }
0xa2: {  	s8 =	simm.s32 $0x0;
	s20 =	sshll.u32 s6, $0x1;
	s6 =	sadd.s32 s21, s4  }
0xa3: {  	[timem:s8], [sflag:s22] =	dma.local [hbm:s6], s20  }
0xa4: {  	_ =	swait.ge [sflag:s22], s20  }
0xa5: {  	s5 =	ssub.s32 $0x0, s20;
	[sflag:s22] =	ssyncset.done $0x0  }
0xa6: {  	[sflag:s22] =	ssyncadd.s32 s5;
	_ =	sdelay $0x1  }
0xa7: {  	s23 =	simm.s32 $0x1B8B  }
0xa8: {  	_ =	swait.ge [sflag:s23], $0x1  }
0xa9: {  	[sflag:s23] =	ssyncset.done $0x0  }
0xaa: {  	s25 =	simm.s32 $0x1B8E;
	s24 =	sld [smem:$0x3FFE];
	[sflag:s23] =	ssyncadd.s32 $0xFFFFFFFF  }
0xab: {  	s26 =	simm.s32 $execute0_lowered;
	[smem:$0x3FD2] =	sst s25  }
0xac: {  	s6 =	sshll.u32 s26, $0x1;
	_ =	strace $0x80000046;
	[dreg:$0x1] =	wrdreg $0xFFFFFFFF  }
0xad: {  	s28 =	simm.s32 $_size_execute0_lowered;
	s4 =	sadd.s32 s4, s6;
	[dreg:$0x0] =	wrdreg $0x0  }
0xae: {  	s6 =	sshll.u32 s28, $0x1;
	[dreg:$0x2] =	wrdreg s4  }
0xaf: {  	[dreg:$0x3] =	wrdreg s6  }
0xb0: {  	[dreg:$0x4] =	wrdreg $0xC0  }
0xb1: {  	_ =	task [dreg:s8], $0x5FFFF  }
0xb2: {  	[dreg:$0x1] =	wrdreg $0xFFFFFFFF  }
0xb3: {  	[dreg:$0x0] =	wrdreg $0x60  }
0xb4: {  	[dreg:$0x2] =	wrdreg s16  }
0xb5: {  	[dreg:$0x3] =	wrdreg s15  }
0xb6: {  	[dreg:$0x4] =	wrdreg s24  }
0xb7: {  	[dreg:$0x5] =	wrdreg $0x0  }
0xb8: {  	[dreg:$0x6] =	wrdreg $0x9  }
0xb9: {  	_ =	task.clear_ibuf [dreg:s8], $0x7FFFF;
	_ =	strace $0x90000046  }
0xba: {  	s29 =	simm.s32 $0x9;
	_ =	strace $0x80000048  }
0xbb: {  	_ =	swait.ge [sflag:s29], $0x1  }
0xbc: {  	[sflag:s29] =	ssyncadd.s32 $0xFFFFFFFF  }
0xbd: {  	_ =	strace $0x90000048  }
0xbe: {  	_ =	sfence  }
0xbf: {  	s30 =	sld [smem:$0x0];
	_ =	sdelay $0x2  }
0xc0: {  	s31 =	sshll.u32 s1, $0xD;
	s1 =	sshrl.u32 s1, $0x2  }
0xc1: {  	s3 =	sand.u32 $0x4000, s31;
	s1 =	sadd.s32 s1, s30  }
0xc2: {  	s0 =	sor.u32 s3, s0;
	s1 =	sshll.u32 s1, $0x11  }
0xc3: {  	s0 =	sor.u32 s1, s0  }
0xc4: {  	s0 =	sadd.s32 $0x8F2B, s0  }
0xc5: {  	[sflag:s0] =	ssyncadd.remote.s32 $0x1  }
0xc6: {  	_ =	sfence.sel $0xFFFF  }
0xc7: {  	[dreg:$0x0] =	wrdreg $0xFFFFFFFF;
	(pc) =	sbr.abs _section_cstart, $3  }
0xc8: {  	[dreg:$0x1] =	wrdreg $0xFFFFFFFF  }
0xc9: {  	_ =	task.clear_ibuf [dreg:s8], $0x2FFFF;
	_ =	strace $0x9FFFFFFF  }
0xca: {  	(tm) =	ssettm $0x7FFFFFFF  }
0xcb: {  	_ =	shalt  }
tec
execute0_lowered:
.L_overlay_start_1:
0x0: {  	(tag) =	ssettag $0x1  }
0x1: {  	s0 =	rddreg [dreg:$0x0]  }
0x2: {  	s1 =	rddreg [dreg:$0x1]  }
0x3: {  	s3 =	rddreg [dreg:$0x2]  }
0x4: {  	s2 =	rddreg [dreg:$0x3];
	s5 =	srdreg.scid  }
0x5: {  	s4 =	simm.s32 $0x0;
	s22 =	stileid.u32;
	s28 =	simm.s32 $0x1  }
0x6: {  	s29 =	simm.s32 $0x50;
	s30 =	simm.s32 $0x2;
	s8 =	smul.u32 $0x280, s22  }
0x7: {  	s31 =	simm.s32 $0x0;
	s10 =	sand.u32 $0x1, s5;
	s18 =	smul.u32 $0x50000, s22  }
0x8: {  	[smem:$0x7FF] =	sst s4;
	s24 =	smul.u32 $0x2800, s22;
	s5 =	ssub.s32 $0x2, s10  }
0x9: {  	_ =	strace $0x80000047;
	s17 =	sshll.u32 s10, $0x4;
	p0 =	seq.s32 s10, $0x0  }
0xa: {  	s6 =	sshrl.u32 s5, $0x1;
	s9 =	sor.u32 s22, s17;
	s12 =	sadd.s32 $0x80, s8  }
0xb: {  	s13 =	sadd.s32 $0x100, s8;
	s19 =	sshrl.u32 s18, $0x2;
	s14 =	sadd.s32 $0x180, s8  }
0xc: {  	s15 =	sadd.s32 $0x200, s8;
	s11 =	ssub.s32 s5, s6;
	s20 =	sshll.u32 s12, $0x7  }
0xd: {  	s7 =	sshll.u32 s13, $0x7;
	s5 =	sadd.s32 s19, s2;
	s16 =	smul.u32 $0x2710, s9  }
0xe: {  	s21 =	sshll.u32 s14, $0x7;
	s17 =	sshll.u32 s15, $0x7;
	s18 =	smul.u32 $0x27100, s9  }
0xf: {  	s25 =	sshll.u32 s12, $0x4;
	s26 =	sshll.u32 s13, $0x4;
	s19 =	sshll.u32 s14, $0x4  }
0x10: {  	s13 =	simm.s32 $0x1400;
	s6 =	sadd.s32 s20, s2;
	s7 =	sadd.s32 s7, s2  }
0x11: {  	s8 =	sadd.s32 s21, s2;
	s9 =	sadd.s32 s17, s2;
	s20 =	smul.u32 $0x271000, s10  }
0x12: {  	s21 =	sshll.u32 s15, $0x4;
	s13 =	simm.s32 @!p0 $0x29400;
	s10 =	smul.u32 $0x27100, s10  }
0x13: {  	s11 =	smax.u32 s11, $0x1;
	s16 =	sshrl.u32 s16, $0x3;
	s23 =	sadd.s32 s0, s18  }
0x14: {  	[dreg:$0x7] =	wrdreg s11;
	s3 =	sadd.s32 s13, s3;
	s16 =	sadd.s32 s1, s16  }
0x15: {  	[dreg:$0x6] =	wrdreg s23;
	s23 =	smul.u32 $0x2710, s22;
	s24 =	sadd.s32 s3, s24  }
0x16: {  	s14 =	sadd.s32 s3, s25;
	s25 =	smul.u32 $0x27100, s22;
	s15 =	sadd.s32 s3, s26  }
0x17: {  	s0 =	sadd.s32 s20, s0;
	s17 =	sadd.s32 s3, s21;
	[dreg:$0x5] =	wrdreg s16  }
0x18: {  	s21 =	simm.s32 $0x19100;
	s22 =	simm.s32 $0x3;
	[dreg:$0x8] =	wrdreg s24  }
0x19: {  	s16 =	sadd.s32 s3, s19;
	s24 =	simm.s32 $0x14000;
	s10 =	sadd.s32 s23, s10  }
0x1a: {  	s0 =	sadd.s32 s25, s0;
	s23 =	simm.s32 $0x19000;
	s11 =	sadd.s32 $0x50, s10  }
0x1b: {  	s25 =	simm.s32 $0x19080;
	s18 =	sadd.s32 $0xA00, s0;
	s26 =	sshrl.u32 s11, $0x3  }
0x1c: {  	v0 =	vimm.f32 $0.0e+00;
	s19 =	sadd.s32 $0xA0, s10;
	s20 =	sadd.s32 s26, s1;
	s26 =	simm.s32 $0x16800  }
.LBB2_1:
0x1d: {  	s0 =	simm.s32 $0x0;
	s3 =	simm.s32 $0x200  }
.LBB2_2:
0x1e: {  	p0 =	sne.s32 s3, $0xFE00;
	[tilespmem:s0+$0x19170] =	vst v0  }
0x1f: {  	[tilespmem:s0+$0x19100] =	vst v0  }
0x20: {  	[tilespmem:s0+$0x19110] =	vst v0  }
.Ltmp0:
0x21: {  	[tilespmem:s0+$0x19120] =	vst v0;
	(pc) =	sbr.rel @p0 .LBB2_2-.Ltmp0, $4  }
0x22: {  	[tilespmem:s0+$0x19130] =	vst v0  }
0x23: {  	[tilespmem:s0+$0x19140] =	vst v0  }
0x24: {  	[tilespmem:s0+$0x19150] =	vst v0  }
0x25: {  	[tilespmem:s0+$0x19160] =	vst v0;
	s0 =	sshra.s32 s3, $0x2;
	s3 =	sadd.s32 $0x200, s3  }
0x26: {  	[tilespmem:s0+$0x19170] =	vst v0  }
0x27: {  	[tilespmem:s0+$0x19100] =	vst v0  }
0x28: {  	[tilespmem:s0+$0x19110] =	vst v0  }
0x29: {  	[tilespmem:s0+$0x19120] =	vst v0  }
0x2a: {  	[tilespmem:s0+$0x19130] =	vst v0  }
0x2b: {  	[tilespmem:s0+$0x19140] =	vst v0  }
0x2c: {  	[tilespmem:s0+$0x19150] =	vst v0  }
0x2d: {  	[tilespmem:s0+$0x19160] =	vst v0  }
0x2e: {  	[spmem:s5] =	stream.linear.scatter [tilespmem:s21], [sflag:$0x3], $0x4000, $0x38;
	[tilespmem:$0x1D100] =	vst v63  }
0x2f: {  	_ =	swait.ge [sflag:s22], $0x4000  }
0x30: {  	[sflag:s22] =	ssyncset.done $0x0  }
0x31: {  	[sflag:s22] =	ssyncadd.s32 $0xFFFFC000  }
0x32: {  	[spmem:s6] =	stream.linear.scatter [tilespmem:s21], [sflag:$0x3], $0x4000, $0x38;
	[tilespmem:$0x1D100] =	vst v63  }
0x33: {  	_ =	swait.ge [sflag:s22], $0x4000  }
0x34: {  	[sflag:s22] =	ssyncset.done $0x0  }
0x35: {  	[sflag:s22] =	ssyncadd.s32 $0xFFFFC000  }
0x36: {  	[spmem:s7] =	stream.linear.scatter [tilespmem:s21], [sflag:$0x3], $0x4000, $0x38;
	[tilespmem:$0x1D100] =	vst v63  }
0x37: {  	_ =	swait.ge [sflag:s22], $0x4000  }
0x38: {  	[sflag:s22] =	ssyncset.done $0x0  }
0x39: {  	[sflag:s22] =	ssyncadd.s32 $0xFFFFC000  }
0x3a: {  	[spmem:s8] =	stream.linear.scatter [tilespmem:s21], [sflag:$0x3], $0x4000, $0x38;
	[tilespmem:$0x1D100] =	vst v63  }
0x3b: {  	_ =	swait.ge [sflag:s22], $0x4000  }
0x3c: {  	[sflag:s22] =	ssyncset.done $0x0  }
0x3d: {  	[sflag:s22] =	ssyncadd.s32 $0xFFFFC000  }
0x3e: {  	[spmem:s9] =	stream.linear.scatter [tilespmem:s21], [sflag:$0x3], $0x4000, $0x38;
	[tilespmem:$0x1D100] =	vst v63  }
0x3f: {  	_ =	swait.ge [sflag:s22], $0x4000  }
0x40: {  	[sflag:s22] =	ssyncset.done $0x0  }
0x41: {  	[sflag:s22] =	ssyncadd.s32 $0xFFFFC000  }
0x42: {  	[bflag:$0x0] =	sbarrier.arrive $0xFFFF  }
0x43: {  	s13 =	simm.s32 $0x0;
	s3 =	rddreg [dreg:$0x5]  }
0x44: {  	[tilespmem:s23], [sflag:$0x1] =	stream.linear.gather [hbm4b:s3+s13], $0x50, $0x38;
	[tilespmem:$0x1D100] =	vst v63  }
0x45: {  	s10 =	rddreg [dreg:$0x6]  }
0x46: {  	[tilespmem:s24], [sflag:$0x1] =	stream.linear.gather [hbm4b:s10+s13], $0x2800, $0x38;
	[tilespmem:$0x1D100] =	vst v63  }
0x47: {  	s11 =	sadd.s32 $0x0, s20  }
0x48: {  	[tilespmem:s25], [sflag:$0x2] =	stream.linear.gather [hbm4b:s11+s4], $0x50, $0x38;
	[tilespmem:$0x1D100] =	vst v63  }
0x49: {  	s12 =	sadd.s32 $0xFFFFFB00, s18  }
0x4a: {  	[tilespmem:s26], [sflag:$0x2] =	stream.linear.gather [hbm4b:s12+s4], $0x2800, $0x38;
	[tilespmem:$0x1D100] =	vst v63  }
0x4b: {  	_ =	swait.ge [sflag:s28], $0x50  }
0x4c: {  	[sflag:s28] =	ssyncset.done $0x0  }
0x4d: {  	[sflag:s28] =	ssyncadd.s32 $0xFFFFFFB0  }
0x4e: {  	_ =	swait.ge [sflag:s28], $0x2800  }
0x4f: {  	[sflag:s28] =	ssyncset.done $0x0  }
0x50: {  	[sflag:s28] =	ssyncadd.s32 $0xFFFFD800  }
0x51: {  	[spmem:s2] =	stream.indirect.scatter.add.f32 [tilespmem:s24], [sflag:$0x3], $0x80, s23, s29, $0xb8;
	[tilespmem:$0x1D100] =	vst v63  }
0x52: {  	_ =	swait.ge [sflag:s22], $0x2800  }
0x53: {  	s13 =	sshrl.u32 s19, $0x3;
	[sflag:s22] =	ssyncset.done $0x0  }
0x54: {  	s0 =	sadd.s32 s1, s13;
	[sflag:s22] =	ssyncadd.s32 $0xFFFFD800  }
0x55: {  	[tilespmem:s23], [sflag:$0x1] =	stream.linear.gather [hbm4b:s0+s4], $0x50, $0x38;
	[tilespmem:$0x1D100] =	vst v63  }
0x56: {  	_ = 	snop  }
0x57: {  	[tilespmem:s24], [sflag:$0x1] =	stream.linear.gather [hbm4b:s18+s4], $0x2800, $0x38;
	[tilespmem:$0x1D100] =	vst v63  }
0x58: {  	_ =	swait.ge [sflag:s30], $0x50  }
0x59: {  	[sflag:s30] =	ssyncset.done $0x0  }
0x5a: {  	[sflag:s30] =	ssyncadd.s32 $0xFFFFFFB0  }
0x5b: {  	_ =	swait.ge [sflag:s30], $0x2800  }
0x5c: {  	[sflag:s30] =	ssyncset.done $0x0  }
0x5d: {  	[sflag:s30] =	ssyncadd.s32 $0xFFFFD800  }
0x5e: {  	[spmem:s2] =	stream.indirect.scatter.add.f32 [tilespmem:s26], [sflag:$0x3], $0x80, s25, s29, $0xb8;
	[tilespmem:$0x1D100] =	vst v63  }
0x5f: {  	s3 =	sadd.s32 $0xA0, s19;
	s10 =	simm.s32 $0x14;
	_ =	swait.ge [sflag:s22], $0x2800  }
0x60: {  	s11 =	simm.s32 $0x28;
	s0 =	sadd.s32 $0xA00, s18;
	[sflag:s22] =	ssyncset.done $0x0  }
.LBB2_4:
0x61: {  	s12 =	sadd.s32 s10, s20  }
0x62: {  	[sflag:s22] =	ssyncadd.s32 $0xFFFFD800;
	s10 =	smov.u32 s11;
	s13 =	sadd.s32 $0x14, s11  }
0x63: {  	[tilespmem:s25], [sflag:$0x2] =	stream.linear.gather [hbm4b:s12+s4], $0x50, $0x38;
	[tilespmem:$0x1D100] =	vst v63  }
0x64: {  	p0 =	sne.s32 s11, $0x4C4;
	s11 =	sadd.s32 $0xFFFFFB00, s0  }
0x65: {  	[tilespmem:s26], [sflag:$0x2] =	stream.linear.gather [hbm4b:s11+s4], $0x2800, $0x38;
	[tilespmem:$0x1D100] =	vst v63  }
0x66: {  	_ =	swait.ge [sflag:s28], $0x50  }
0x67: {  	[sflag:s28] =	ssyncset.done $0x0  }
0x68: {  	[sflag:s28] =	ssyncadd.s32 $0xFFFFFFB0  }
0x69: {  	_ =	swait.ge [sflag:s28], $0x2800  }
0x6a: {  	[sflag:s28] =	ssyncset.done $0x0  }
0x6b: {  	[sflag:s28] =	ssyncadd.s32 $0xFFFFD800  }
0x6c: {  	[spmem:s2] =	stream.indirect.scatter.add.f32 [tilespmem:s24], [sflag:$0x3], $0x80, s23, s29, $0xb8;
	[tilespmem:$0x1D100] =	vst v63  }
0x6d: {  	_ =	swait.ge [sflag:s22], $0x2800  }
0x6e: {  	s11 =	sshrl.u32 s3, $0x3;
	[sflag:s22] =	ssyncset.done $0x0  }
0x6f: {  	s11 =	sadd.s32 s1, s11;
	[sflag:s22] =	ssyncadd.s32 $0xFFFFD800  }
0x70: {  	[tilespmem:s23], [sflag:$0x1] =	stream.linear.gather [hbm4b:s11+s4], $0x50, $0x38;
	[tilespmem:$0x1D100] =	vst v63  }
0x71: {  	_ = 	snop  }
0x72: {  	[tilespmem:s24], [sflag:$0x1] =	stream.linear.gather [hbm4b:s0+s4], $0x2800, $0x38;
	[tilespmem:$0x1D100] =	vst v63  }
0x73: {  	_ =	swait.ge [sflag:s30], $0x50  }
0x74: {  	[sflag:s30] =	ssyncset.done $0x0  }
0x75: {  	[sflag:s30] =	ssyncadd.s32 $0xFFFFFFB0  }
0x76: {  	_ =	swait.ge [sflag:s30], $0x2800  }
.Ltmp1:
0x77: {  	[sflag:s30] =	ssyncset.done $0x0;
	(pc) =	sbr.rel @p0 .LBB2_4-.Ltmp1, $4  }
0x78: {  	[sflag:s30] =	ssyncadd.s32 $0xFFFFD800  }
0x79: {  	[spmem:s2] =	stream.indirect.scatter.add.f32 [tilespmem:s26], [sflag:$0x3], $0x80, s25, s29, $0xb8;
	[tilespmem:$0x1D100] =	vst v63  }
0x7a: {  	s3 =	sadd.s32 $0xA0, s3;
	_ =	swait.ge [sflag:s22], $0x2800  }
0x7b: {  	s11 =	smov.u32 s13;
	s0 =	sadd.s32 $0xA00, s0;
	[sflag:s22] =	ssyncset.done $0x0  }
0x7c: {  	s10 =	sadd.s32 s10, s20;
	[sflag:s22] =	ssyncadd.s32 $0xFFFFD800  }
0x7d: {  	[tilespmem:s25], [sflag:$0x2] =	stream.linear.gather [hbm4b:s10+s4], $0x50, $0x38;
	[tilespmem:$0x1D100] =	vst v63  }
0x7e: {  	s11 =	sadd.s32 $0xFFFFFB00, s0  }
0x7f: {  	[tilespmem:s26], [sflag:$0x2] =	stream.linear.gather [hbm4b:s11+s4], $0x2800, $0x38;
	[tilespmem:$0x1D100] =	vst v63  }
0x80: {  	_ =	swait.ge [sflag:s28], $0x50  }
0x81: {  	[sflag:s28] =	ssyncset.done $0x0  }
0x82: {  	[sflag:s28] =	ssyncadd.s32 $0xFFFFFFB0  }
0x83: {  	_ =	swait.ge [sflag:s28], $0x2800  }
0x84: {  	[sflag:s28] =	ssyncset.done $0x0  }
0x85: {  	[sflag:s28] =	ssyncadd.s32 $0xFFFFD800  }
0x86: {  	[spmem:s2] =	stream.indirect.scatter.add.f32 [tilespmem:s24], [sflag:$0x3], $0x80, s23, s29, $0xb8;
	[tilespmem:$0x1D100] =	vst v63  }
0x87: {  	_ =	swait.ge [sflag:s22], $0x2800  }
0x88: {  	s3 =	sshrl.u32 s3, $0x3;
	[sflag:s22] =	ssyncset.done $0x0  }
0x89: {  	s3 =	sadd.s32 s1, s3;
	[sflag:s22] =	ssyncadd.s32 $0xFFFFD800  }
0x8a: {  	[tilespmem:s23], [sflag:$0x1] =	stream.linear.gather [hbm4b:s3+s4], $0x50, $0x38;
	[tilespmem:$0x1D100] =	vst v63  }
0x8b: {  	_ = 	snop  }
0x8c: {  	[tilespmem:s24], [sflag:$0x1] =	stream.linear.gather [hbm4b:s0+s4], $0x2800, $0x38;
	[tilespmem:$0x1D100] =	vst v63  }
0x8d: {  	_ =	swait.ge [sflag:s30], $0x50  }
0x8e: {  	[sflag:s30] =	ssyncset.done $0x0  }
0x8f: {  	[sflag:s30] =	ssyncadd.s32 $0xFFFFFFB0  }
0x90: {  	_ =	swait.ge [sflag:s30], $0x2800  }
0x91: {  	[sflag:s30] =	ssyncset.done $0x0  }
0x92: {  	[sflag:s30] =	ssyncadd.s32 $0xFFFFD800  }
0x93: {  	[spmem:s2] =	stream.indirect.scatter.add.f32 [tilespmem:s26], [sflag:$0x3], $0x80, s25, s29, $0xb8;
	[tilespmem:$0x1D100] =	vst v63  }
0x94: {  	_ =	swait.ge [sflag:s22], $0x2800  }
0x95: {  	[sflag:s22] =	ssyncset.done $0x0  }
0x96: {  	[sflag:s22] =	ssyncadd.s32 $0xFFFFD800  }
0x97: {  	_ =	swait.ge [sflag:s28], $0x50  }
0x98: {  	[sflag:s28] =	ssyncset.done $0x0  }
0x99: {  	[sflag:s28] =	ssyncadd.s32 $0xFFFFFFB0  }
0x9a: {  	_ =	swait.ge [sflag:s28], $0x2800  }
0x9b: {  	[sflag:s28] =	ssyncset.done $0x0  }
0x9c: {  	[sflag:s28] =	ssyncadd.s32 $0xFFFFD800  }
0x9d: {  	[spmem:s2] =	stream.indirect.scatter.add.f32 [tilespmem:s24], [sflag:$0x3], $0x80, s23, s29, $0xb8;
	[tilespmem:$0x1D100] =	vst v63  }
0x9e: {  	_ =	swait.ge [sflag:s22], $0x2800  }
0x9f: {  	[sflag:s22] =	ssyncset.done $0x0  }
0xa0: {  	[sflag:s22] =	ssyncadd.s32 $0xFFFFD800  }
0xa1: {  	[bflag:$0x0] =	sbarrier.arrive $0xFFFF  }
0xa2: {  	[tilespmem:s21], [sflag:$0x3] =	stream.linear.gather [spmem:s5], $0x4000, $0x38;
	[tilespmem:$0x1D100] =	vst v63  }
0xa3: {  	_ =	swait.ge [sflag:s22], $0x4000  }
0xa4: {  	[sflag:s22] =	ssyncset.done $0x0  }
0xa5: {  	s12 =	rddreg [dreg:$0x8];
	[sflag:s22] =	ssyncadd.s32 $0xFFFFC000  }
0xa6: {  	[hbm4b:s12+s4] =	stream.linear.scatter [tilespmem:s21], [sflag:$0x3], $0x4000, $0x38;
	[tilespmem:$0x1D100] =	vst v63  }
0xa7: {  	_ =	swait.ge [sflag:s22], $0x4000  }
0xa8: {  	[sflag:s22] =	ssyncset.done $0x0  }
0xa9: {  	[sflag:s22] =	ssyncadd.s32 $0xFFFFC000  }
0xaa: {  	[tilespmem:s21], [sflag:$0x3] =	stream.linear.gather [spmem:s6], $0x4000, $0x38;
	[tilespmem:$0x1D100] =	vst v63  }
0xab: {  	_ =	swait.ge [sflag:s22], $0x4000  }
0xac: {  	[sflag:s22] =	ssyncset.done $0x0  }
0xad: {  	[sflag:s22] =	ssyncadd.s32 $0xFFFFC000  }
0xae: {  	[hbm4b:s14+s4] =	stream.linear.scatter [tilespmem:s21], [sflag:$0x3], $0x4000, $0x38;
	[tilespmem:$0x1D100] =	vst v63  }
0xaf: {  	_ =	swait.ge [sflag:s22], $0x4000  }
0xb0: {  	[sflag:s22] =	ssyncset.done $0x0  }
0xb1: {  	[sflag:s22] =	ssyncadd.s32 $0xFFFFC000  }
0xb2: {  	[tilespmem:s21], [sflag:$0x3] =	stream.linear.gather [spmem:s7], $0x4000, $0x38;
	[tilespmem:$0x1D100] =	vst v63  }
0xb3: {  	_ =	swait.ge [sflag:s22], $0x4000  }
0xb4: {  	[sflag:s22] =	ssyncset.done $0x0  }
0xb5: {  	[sflag:s22] =	ssyncadd.s32 $0xFFFFC000  }
0xb6: {  	[hbm4b:s15+s4] =	stream.linear.scatter [tilespmem:s21], [sflag:$0x3], $0x4000, $0x38;
	[tilespmem:$0x1D100] =	vst v63  }
0xb7: {  	_ =	swait.ge [sflag:s22], $0x4000  }
0xb8: {  	[sflag:s22] =	ssyncset.done $0x0  }
0xb9: {  	[sflag:s22] =	ssyncadd.s32 $0xFFFFC000  }
0xba: {  	[tilespmem:s21], [sflag:$0x3] =	stream.linear.gather [spmem:s8], $0x4000, $0x38;
	[tilespmem:$0x1D100] =	vst v63  }
0xbb: {  	_ =	swait.ge [sflag:s22], $0x4000  }
0xbc: {  	[sflag:s22] =	ssyncset.done $0x0  }
0xbd: {  	[sflag:s22] =	ssyncadd.s32 $0xFFFFC000  }
0xbe: {  	[hbm4b:s16+s4] =	stream.linear.scatter [tilespmem:s21], [sflag:$0x3], $0x4000, $0x38;
	[tilespmem:$0x1D100] =	vst v63  }
0xbf: {  	_ =	swait.ge [sflag:s22], $0x4000  }
0xc0: {  	[sflag:s22] =	ssyncset.done $0x0  }
0xc1: {  	[sflag:s22] =	ssyncadd.s32 $0xFFFFC000  }
0xc2: {  	[tilespmem:s21], [sflag:$0x3] =	stream.linear.gather [spmem:s9], $0x4000, $0x38;
	[tilespmem:$0x1D100] =	vst v63  }
0xc3: {  	_ =	swait.ge [sflag:s22], $0x4000  }
0xc4: {  	[sflag:s22] =	ssyncset.done $0x0  }
0xc5: {  	[sflag:s22] =	ssyncadd.s32 $0xFFFFC000  }
0xc6: {  	[hbm4b:s17+s4] =	stream.linear.scatter [tilespmem:s21], [sflag:$0x3], $0x4000, $0x38;
	[tilespmem:$0x1D100] =	vst v63  }
0xc7: {  	_ =	swait.ge [sflag:s22], $0x4000  }
0xc8: {  	s31 =	sadd.s32 $0x1, s31;
	s13 =	rddreg [dreg:$0x7]  }
0xc9: {  	p0 =	sne.s32 s31, s13  }
.Ltmp2:
0xca: {  	_ = 	snop;
	(pc) =	sbr.rel @p0 .LBB2_1-.Ltmp2, $3  }
0xcb: {  	_ =	sdelay $0x1  }
0xcc: {  	[sflag:s22] =	ssyncset.done $0x0  }
0xcd: {  	[sflag:s22] =	ssyncadd.s32 $0xFFFFC000  }
0xce: {  	_ =	sfence.sel $0x180000  }
0xcf: {  	[bflag:$0x0] =	sbarrier.arrive $0xFFFF  }
0xd0: {  	_ =	strace $0x90000047  }
0xd1: {  	s0 =	stileid.u32;
	[bflag:$0x2] =	sbarrier.arrive $0xFFFF  }
0xd2: {  	p0 =	sne.s32 s0, $0x0;
	s0 =	rddreg [dreg:$0x4]  }
0xd3: {  	s0 =	sadd.s32 @!p0 $0x100000, s0  }
0xd4: {  	[sflag:s0] =	ssyncadd.tile.s32 @!p0 $0x1;
	_ =	shalt  }
.Lfunc_end2:
_tile_overlayer_lowered:
.L_overlay_start_2:
0xd5: {  	(tag) =	ssettag $0x2  }
0xd6: {  	s0 =	rddreg [dreg:$0x0];
	s2 =	stileid.u32  }
0xd7: {  	s1 =	rddreg [dreg:$0x1];
	p0 =	sne.s32 s2, $0x0  }
0xd8: {  	s3 =	rddreg [dreg:$0x2];
	[bflag:$0x3] =	sbarrier.arrive $0xFFFF;
	s2 =	simm.s32 @!p0 $0x1C03  }
0xd9: {  	[timem:s3], [sflag:s2] =	dma.local @!p0 [hbm:s0], s1  }
0xda: {  	s0 =	simm.s32 @!p0 $0x3  }
0xdb: {  	_ =	swait.ge @!p0 [sflag:s0], s1  }
0xdc: {  	s1 =	ssub.s32 @!p0 $0x0, s1;
	[sflag:s0] =	ssyncset.done @!p0 $0x0  }
0xdd: {  	[sflag:s0] =	ssyncadd.s32 @!p0 s1  }
0xde: {  	[bflag:$0x3] =	sbarrier.arrive $0xFFFF  }
0xdf: {  	_ =	shalt  }

</sc_bundles>
